<compile_context>
chip_gen: v7x
topology: tpu7x:2x2x1
jax: 0.10.2.dev20260603
libtpu: 0.0.44.dev20260713+nightly
codegen_flags: <defaults>
</compile_context>

<pallas_src>
import functools

import jax
import jax.numpy as jnp
from jax import lax
from jax.experimental import pallas as pl
from jax.experimental.pallas import tpu as pltpu
from jax.experimental.pallas import tpu_sc as plsc

B = 1024
HIST = 50
GH = 50
GA = 24
GB = 24
GC = 2
HP = 64
D = 1024
NPH = 582

NC = 2
NS = 16
L = 16
NW = NC * NS
BPW = B // NW


def _sc_pool(xp, table, nb_rows):
    mesh = plsc.VectorSubcoreMesh(core_axis_name="c", subcore_axis_name="s")
    bpw = nb_rows // NW

    @functools.partial(
        pl.kernel,
        mesh=mesh,
        out_type=jax.ShapeDtypeStruct((nb_rows, D), jnp.float32),
        scratch_types=[
            pltpu.VMEM((bpw, HP), jnp.int32),
            pltpu.VMEM((2, D), jnp.float32),
            pltpu.SemaphoreType.DMA,
            pltpu.SemaphoreType.DMA,
            pltpu.SemaphoreType.DMA,
            pltpu.SemaphoreType.DMA,
        ],
    )
    def pool(x_hbm, table_hbm, out_hbm, idx_v, outb, g0, g1, o0, o1):
        wid = lax.axis_index("s") * NC + lax.axis_index("c")
        base = wid * bpw
        pltpu.sync_copy(x_hbm.at[pl.ds(base, bpw)], idx_v)

        def body(bufa0, bufa1, bufb0, bufb1, bufc0, bufc1):
            bufas = (bufa0, bufa1)
            bufbs = (bufb0, bufb1)
            bufcs = (bufc0, bufc1)
            gsems = (g0, g1)
            osems = (o0, o1)

            def issue_gather(i, nb):
                pltpu.async_copy(
                    table_hbm.at[idx_v.at[i, pl.ds(0, GA)]], bufas[nb],
                    gsems[nb])
                pltpu.async_copy(
                    table_hbm.at[idx_v.at[i, pl.ds(GA, GB)]], bufbs[nb],
                    gsems[nb])
                pltpu.async_copy(
                    table_hbm.at[idx_v.at[i, pl.ds(GA + GB, GC)]],
                    bufcs[nb], gsems[nb])

            def wait_gather(nb):
                pltpu.make_async_copy(
                    table_hbm.at[idx_v.at[0, pl.ds(0, GA)]], bufas[nb],
                    gsems[nb]).wait()
                pltpu.make_async_copy(
                    table_hbm.at[idx_v.at[0, pl.ds(GA, GB)]], bufbs[nb],
                    gsems[nb]).wait()
                pltpu.make_async_copy(
                    table_hbm.at[idx_v.at[0, pl.ds(GA + GB, GC)]],
                    bufcs[nb], gsems[nb]).wait()

            issue_gather(0, 0)
            issue_gather(1, 1)

            def row(i, nb):
                bufa = bufas[nb]
                bufb = bufbs[nb]
                bufc = bufcs[nb]
                wait_gather(nb)

                @pl.when(i >= 2)
                def _():
                    pltpu.make_async_copy(
                        outb.at[pl.ds(nb, 1)], out_hbm.at[pl.ds(base, 1)],
                        osems[nb]).wait()

                def chunk_body(v, carry):
                    o = pl.multiple_of(v * L, L)
                    accs = [bufa[j, pl.ds(o, L)] for j in range(4)]
                    for j in range(4, GA):
                        accs[j % 4] = accs[j % 4] + bufa[j, pl.ds(o, L)]
                    for j in range(GB):
                        accs[j % 4] = accs[j % 4] + bufb[j, pl.ds(o, L)]
                    for j in range(GC):
                        accs[j % 4] = accs[j % 4] + bufc[j, pl.ds(o, L)]
                    outb[nb, pl.ds(o, L)] = (
                        (accs[0] + accs[1]) + (accs[2] + accs[3]))
                    return carry

                lax.fori_loop(0, D // L, chunk_body, 0)

                pltpu.async_copy(
                    outb.at[pl.ds(nb, 1)], out_hbm.at[pl.ds(base + i, 1)],
                    osems[nb])

                @pl.when(i + 2 < bpw)
                def _():
                    issue_gather(i + 2, nb)

            def step(s, carry):
                row(2 * s, 0)
                row(2 * s + 1, 1)
                return carry

            lax.fori_loop(0, bpw // 2, step, 0)

            for nb in range(2):
                pltpu.make_async_copy(
                    outb.at[pl.ds(nb, 1)], out_hbm.at[pl.ds(base, 1)],
                    osems[nb]).wait()

        pl.run_scoped(
            body,
            pltpu.VMEM((GA, D), jnp.float32),
            pltpu.VMEM((GA, D), jnp.float32),
            pltpu.VMEM((GB, D), jnp.float32),
            pltpu.VMEM((GB, D), jnp.float32),
            pltpu.VMEM((GC, D), jnp.float32),
            pltpu.VMEM((GC, D), jnp.float32),
        )

    return pool(xp, table)


def _tc_head(pooled, x, t0row, W, b2, nb_rows):
    TB = 256

    def body(p_ref, x_ref, t0_ref, w_ref, b_ref, o_ref):
        n0 = jnp.sum((x_ref[...] == 0).astype(jnp.float32), axis=1,
                     keepdims=True)
        vr = jnp.tanh(p_ref[...] - (n0 + float(GH - HIST)) * t0_ref[...])
        logits = jnp.dot(vr, w_ref[...],
                         preferred_element_type=jnp.float32) + b_ref[...]
        m = jnp.max(logits, axis=-1, keepdims=True)
        e = jnp.exp(logits - m)
        o_ref[...] = e / jnp.sum(e, axis=-1, keepdims=True)

    return pl.pallas_call(
        body,
        grid=(nb_rows // TB,),
        in_specs=[
            pl.BlockSpec((TB, D), lambda i: (i, 0)),
            pl.BlockSpec((TB, HIST), lambda i: (i, 0)),
            pl.BlockSpec((1, D), lambda i: (0, 0)),
            pl.BlockSpec((D, NPH), lambda i: (0, 0)),
            pl.BlockSpec((1, NPH), lambda i: (0, 0)),
        ],
        out_specs=pl.BlockSpec((TB, NPH), lambda i: (i, 0)),
        out_shape=jax.ShapeDtypeStruct((nb_rows, NPH), jnp.float32),
    )(pooled, x, t0row, W, b2)


def kernel(x, table, W, b):
    x = x.astype(jnp.int32)
    xp = jnp.pad(x, ((0, 0), (0, HP - HIST)), constant_values=0)
    pooled = _sc_pool(xp, table, B)
    return _tc_head(pooled, x, table[0:1], W, b.reshape(1, NPH), B)

# --- scband reference (transcript-rebuilt; emitter-appended) ---
"""Pipeline reference for scband-phe-dvec-35579509080596 (READ-ONLY COPY).

The authoritative reference and input builder live on the scoring server;
editing this copy changes nothing except your own understanding.
"""

import jax, jax.numpy as jnp
import numpy as np

VOCAB = 100000
EMB_DIM = 1024
N_PHECODES = 582
BATCH = 1024
HIST = 50

def setup_inputs(seed: int = 0) -> dict:
    key = jax.random.key(seed)
    k1, k2, k3 = jax.random.split(key, 3)
    # patient record batch: padded concept-id sequences, 0 is the padding id (mask_zero=True)
    x = jax.random.randint(k1, (BATCH, HIST), 0, VOCAB)
    # embedding table: vocab+1 rows (row 0 reserved for padding)
    table = jax.random.normal(k2, (VOCAB + 1, EMB_DIM), dtype=jnp.float32) * 0.02
    # phecode classifier (Dense(582, softmax))
    W = jax.random.normal(k3, (EMB_DIM, N_PHECODES), dtype=jnp.float32) * 0.02
    b = jnp.zeros((N_PHECODES,), dtype=jnp.float32)
    return {"x": x, "table": table, "W": W, "b": b}

def reference(x, table, W, b):
    # Embedding lookup with mask_zero=True semantics
    emb = jnp.take(table, x, axis=0)                      # [B, L, D]
    mask = (x != 0).astype(emb.dtype)[..., None]          # [B, L, 1]
    # get_visitRep: masked sum over the visit, then tanh activation
    visit_rep = jnp.tanh(jnp.sum(emb * mask, axis=1))     # [B, D]
    # phecode_classifier: Dense(582) with softmax
    logits = visit_rep @ W + b                            # [B, 582]
    prediction = jax.nn.softmax(logits, axis=-1)
    return prediction

if __name__ == "__main__":
    import jax
    _d = setup_inputs()
    print(jax.jit(kernel)(*tuple(_d.values())))

</pallas_src>

<mosaic_0001>
#map = affine_map<(d0, d1) -> (0, 0)>
module attributes {stable_mosaic.version = 14 : i64} {
  func.func @pool(%arg0: i32, %arg1: i32, %arg2: memref<1024x64xi32, #tpu.memory_space<hbm>>, %arg3: memref<100001x1024xf32, #tpu.memory_space<hbm>>, %arg4: memref<1024x1024xf32, #tpu.memory_space<hbm>>, %arg5: memref<32x64xi32, #tpu.memory_space<vmem>>, %arg6: memref<2x1024xf32, #tpu.memory_space<vmem>>, %arg7: memref<!tpu.dma_semaphore, #tpu.memory_space<semaphore_mem>>, %arg8: memref<!tpu.dma_semaphore, #tpu.memory_space<semaphore_mem>>, %arg9: memref<!tpu.dma_semaphore, #tpu.memory_space<semaphore_mem>>, %arg10: memref<!tpu.dma_semaphore, #tpu.memory_space<semaphore_mem>>) attributes {dimension_semantics = [#tpu.dimension_semantics<core_parallel>, #tpu.dimension_semantics<subcore_parallel>], iteration_bounds = array<i64: 2, 16>, scalar_prefetch = 0 : i64, scratch_operands = 6 : i64, tpu.core_type = #tpu.core_type<sc_vector_subcore>, window_params = [{transform_indices = #map}, {transform_indices = #map}, {transform_indices = #map}]} {
    %mul3A = arith.constant 2 : i32
    %mul3A_0 = arith.muli %arg1, %mul3A : i32
    %add3A = arith.addi %mul3A_0, %arg0 : i32
    %mul3A_1 = arith.constant 32 : i32
    %mul3A_2 = arith.muli %add3A, %mul3A_1 : i32
    "tpu.region"() ({
      %run_scoped3A = tpu.sem_alloc : memref<!tpu.dma_semaphore, #tpu.memory_space<semaphore_mem>>
      %dma_start3A = arith.constant 0 : i32
      %dma_start3A_3 = tpu.memref_slice %arg2[%mul3A_2, %dma_start3A] : memref<1024x64xi32, #tpu.memory_space<hbm>> -> memref<32x64xi32, #tpu.memory_space<hbm>>
      %dma_start3A_4 = arith.constant 0 : i32
      %dma_start3A_5 = tpu.memref_slice %arg2[%mul3A_2, %dma_start3A_4] : memref<1024x64xi32, #tpu.memory_space<hbm>> -> memref<32x64xi32, #tpu.memory_space<hbm>>
      tpu.enqueue_dma source(%dma_start3A_5 : memref<32x64xi32, #tpu.memory_space<hbm>>) target(%arg5 : memref<32x64xi32, #tpu.memory_space<vmem>>) target_semaphore(%run_scoped3A : memref<!tpu.dma_semaphore, #tpu.memory_space<semaphore_mem>>)
      %dma_wait3A = arith.constant 0 : i32
      %dma_wait3A_6 = tpu.memref_slice %arg2[%mul3A_2, %dma_wait3A] : memref<1024x64xi32, #tpu.memory_space<hbm>> -> memref<32x64xi32, #tpu.memory_space<hbm>>
      %dma_wait3A_7 = arith.constant 0 : i32
      %dma_wait3A_8 = tpu.memref_slice %arg2[%mul3A_2, %dma_wait3A_7] : memref<1024x64xi32, #tpu.memory_space<hbm>> -> memref<32x64xi32, #tpu.memory_space<hbm>>
      tpu.wait_dma2 semaphore(%run_scoped3A : memref<!tpu.dma_semaphore, #tpu.memory_space<semaphore_mem>>) src(%dma_wait3A_8 : memref<32x64xi32, #tpu.memory_space<hbm>>) dst(%arg5 : memref<32x64xi32, #tpu.memory_space<vmem>>)
      tpu.yield
    }) : () -> ()
    "tpu.region"() ({
      %run_scoped3A = memref.alloca() : memref<24x1024xf32, #tpu.memory_space<vmem>>
      %run_scoped3A_3 = memref.alloca() : memref<24x1024xf32, #tpu.memory_space<vmem>>
      %run_scoped3A_4 = memref.alloca() : memref<24x1024xf32, #tpu.memory_space<vmem>>
      %run_scoped3A_5 = memref.alloca() : memref<24x1024xf32, #tpu.memory_space<vmem>>
      %run_scoped3A_6 = memref.alloca() : memref<2x1024xf32, #tpu.memory_space<vmem>>
      %run_scoped3A_7 = memref.alloca() : memref<2x1024xf32, #tpu.memory_space<vmem>>
      %dma_start3A = arith.constant 0 : i32
      %dma_start3A_8 = arith.constant 0 : i32
      %dma_start3A_9 = tpu.memref_slice %arg5[%dma_start3A, %dma_start3A_8] : memref<32x64xi32, #tpu.memory_space<vmem>> -> memref<1x24xi32, #tpu.memory_space<vmem>>
      %dma_start3A_10 = tpu.memref_squeeze %dma_start3A_9 : memref<1x24xi32, #tpu.memory_space<vmem>> -> memref<24xi32, #tpu.memory_space<vmem>>
      %dma_start3A_11 = arith.constant 0 : i32
      %dma_start3A_12 = arith.constant 0 : i32
      %dma_start3A_13 = tpu.memref_slice %arg3[%dma_start3A_11, %dma_start3A_12] : memref<100001x1024xf32, #tpu.memory_space<hbm>> -> memref<100001x1024xf32, #tpu.memory_space<hbm>>
      tpu.enqueue_indirect_dma source(%dma_start3A_13 : memref<100001x1024xf32, #tpu.memory_space<hbm>>) target(%run_scoped3A : memref<24x1024xf32, #tpu.memory_space<vmem>>) offsets(%dma_start3A_10 : memref<24xi32, #tpu.memory_space<vmem>>) semaphore(%arg7 : memref<!tpu.dma_semaphore, #tpu.memory_space<semaphore_mem>>)
      %dma_start3A_14 = arith.constant 0 : i32
      %dma_start3A_15 = arith.constant 24 : i32
      %dma_start3A_16 = tpu.memref_slice %arg5[%dma_start3A_14, %dma_start3A_15] : memref<32x64xi32, #tpu.memory_space<vmem>> -> memref<1x24xi32, #tpu.memory_space<vmem>>
      %dma_start3A_17 = tpu.memref_squeeze %dma_start3A_16 : memref<1x24xi32, #tpu.memory_space<vmem>> -> memref<24xi32, #tpu.memory_space<vmem>>
      %dma_start3A_18 = arith.constant 0 : i32
      %dma_start3A_19 = arith.constant 0 : i32
      %dma_start3A_20 = tpu.memref_slice %arg3[%dma_start3A_18, %dma_start3A_19] : memref<100001x1024xf32, #tpu.memory_space<hbm>> -> memref<100001x1024xf32, #tpu.memory_space<hbm>>
      tpu.enqueue_indirect_dma source(%dma_start3A_20 : memref<100001x1024xf32, #tpu.memory_space<hbm>>) target(%run_scoped3A_4 : memref<24x1024xf32, #tpu.memory_space<vmem>>) offsets(%dma_start3A_17 : memref<24xi32, #tpu.memory_space<vmem>>) semaphore(%arg7 : memref<!tpu.dma_semaphore, #tpu.memory_space<semaphore_mem>>)
      %dma_start3A_21 = arith.constant 0 : i32
      %dma_start3A_22 = arith.constant 48 : i32
      %dma_start3A_23 = tpu.memref_slice %arg5[%dma_start3A_21, %dma_start3A_22] : memref<32x64xi32, #tpu.memory_space<vmem>> -> memref<1x2xi32, #tpu.memory_space<vmem>>
      %dma_start3A_24 = tpu.memref_squeeze %dma_start3A_23 : memref<1x2xi32, #tpu.memory_space<vmem>> -> memref<2xi32, #tpu.memory_space<vmem>>
      %dma_start3A_25 = arith.constant 0 : i32
      %dma_start3A_26 = arith.constant 0 : i32
      %dma_start3A_27 = tpu.memref_slice %arg3[%dma_start3A_25, %dma_start3A_26] : memref<100001x1024xf32, #tpu.memory_space<hbm>> -> memref<100001x1024xf32, #tpu.memory_space<hbm>>
      tpu.enqueue_indirect_dma source(%dma_start3A_27 : memref<100001x1024xf32, #tpu.memory_space<hbm>>) target(%run_scoped3A_6 : memref<2x1024xf32, #tpu.memory_space<vmem>>) offsets(%dma_start3A_24 : memref<2xi32, #tpu.memory_space<vmem>>) semaphore(%arg7 : memref<!tpu.dma_semaphore, #tpu.memory_space<semaphore_mem>>)
      %dma_start3A_28 = arith.constant 1 : i32
      %dma_start3A_29 = arith.constant 0 : i32
      %dma_start3A_30 = tpu.memref_slice %arg5[%dma_start3A_28, %dma_start3A_29] : memref<32x64xi32, #tpu.memory_space<vmem>> -> memref<1x24xi32, #tpu.memory_space<vmem>>
      %dma_start3A_31 = tpu.memref_squeeze %dma_start3A_30 : memref<1x24xi32, #tpu.memory_space<vmem>> -> memref<24xi32, #tpu.memory_space<vmem>>
      %dma_start3A_32 = arith.constant 0 : i32
      %dma_start3A_33 = arith.constant 0 : i32
      %dma_start3A_34 = tpu.memref_slice %arg3[%dma_start3A_32, %dma_start3A_33] : memref<100001x1024xf32, #tpu.memory_space<hbm>> -> memref<100001x1024xf32, #tpu.memory_space<hbm>>
      tpu.enqueue_indirect_dma source(%dma_start3A_34 : memref<100001x1024xf32, #tpu.memory_space<hbm>>) target(%run_scoped3A_3 : memref<24x1024xf32, #tpu.memory_space<vmem>>) offsets(%dma_start3A_31 : memref<24xi32, #tpu.memory_space<vmem>>) semaphore(%arg8 : memref<!tpu.dma_semaphore, #tpu.memory_space<semaphore_mem>>)
      %dma_start3A_35 = arith.constant 1 : i32
      %dma_start3A_36 = arith.constant 24 : i32
      %dma_start3A_37 = tpu.memref_slice %arg5[%dma_start3A_35, %dma_start3A_36] : memref<32x64xi32, #tpu.memory_space<vmem>> -> memref<1x24xi32, #tpu.memory_space<vmem>>
      %dma_start3A_38 = tpu.memref_squeeze %dma_start3A_37 : memref<1x24xi32, #tpu.memory_space<vmem>> -> memref<24xi32, #tpu.memory_space<vmem>>
      %dma_start3A_39 = arith.constant 0 : i32
      %dma_start3A_40 = arith.constant 0 : i32
      %dma_start3A_41 = tpu.memref_slice %arg3[%dma_start3A_39, %dma_start3A_40] : memref<100001x1024xf32, #tpu.memory_space<hbm>> -> memref<100001x1024xf32, #tpu.memory_space<hbm>>
      tpu.enqueue_indirect_dma source(%dma_start3A_41 : memref<100001x1024xf32, #tpu.memory_space<hbm>>) target(%run_scoped3A_5 : memref<24x1024xf32, #tpu.memory_space<vmem>>) offsets(%dma_start3A_38 : memref<24xi32, #tpu.memory_space<vmem>>) semaphore(%arg8 : memref<!tpu.dma_semaphore, #tpu.memory_space<semaphore_mem>>)
      %dma_start3A_42 = arith.constant 1 : i32
      %dma_start3A_43 = arith.constant 48 : i32
      %dma_start3A_44 = tpu.memref_slice %arg5[%dma_start3A_42, %dma_start3A_43] : memref<32x64xi32, #tpu.memory_space<vmem>> -> memref<1x2xi32, #tpu.memory_space<vmem>>
      %dma_start3A_45 = tpu.memref_squeeze %dma_start3A_44 : memref<1x2xi32, #tpu.memory_space<vmem>> -> memref<2xi32, #tpu.memory_space<vmem>>
      %dma_start3A_46 = arith.constant 0 : i32
      %dma_start3A_47 = arith.constant 0 : i32
      %dma_start3A_48 = tpu.memref_slice %arg3[%dma_start3A_46, %dma_start3A_47] : memref<100001x1024xf32, #tpu.memory_space<hbm>> -> memref<100001x1024xf32, #tpu.memory_space<hbm>>
      tpu.enqueue_indirect_dma source(%dma_start3A_48 : memref<100001x1024xf32, #tpu.memory_space<hbm>>) target(%run_scoped3A_7 : memref<2x1024xf32, #tpu.memory_space<vmem>>) offsets(%dma_start3A_45 : memref<2xi32, #tpu.memory_space<vmem>>) semaphore(%arg8 : memref<!tpu.dma_semaphore, #tpu.memory_space<semaphore_mem>>)
      %scan3A = arith.constant 0 : i32
      %scan3A_49 = arith.constant 0 : i32
      %scan3A_50 = arith.constant 16 : i32
      %scan3A_51 = arith.addi %scan3A_49, %scan3A_50 : i32
      %scan3A_52 = arith.constant 1 : i32
      scf.for %scan3A_73 = %scan3A_49 to %scan3A_51 step %scan3A_52  : i32 {
        %mul3A_74 = arith.constant 2 : i32
        %mul3A_75 = arith.muli %mul3A_74, %scan3A_73 : i32
        %dma_wait3A_76 = arith.constant 0 : i32
        %dma_wait3A_77 = arith.constant 0 : i32
        %dma_wait3A_78 = tpu.memref_slice %arg5[%dma_wait3A_76, %dma_wait3A_77] : memref<32x64xi32, #tpu.memory_space<vmem>> -> memref<1x24xi32, #tpu.memory_space<vmem>>
        %dma_wait3A_79 = tpu.memref_squeeze %dma_wait3A_78 : memref<1x24xi32, #tpu.memory_space<vmem>> -> memref<24xi32, #tpu.memory_space<vmem>>
        %dma_wait3A_80 = arith.constant 0 : i32
        %dma_wait3A_81 = arith.constant 0 : i32
        %dma_wait3A_82 = tpu.memref_slice %arg3[%dma_wait3A_80, %dma_wait3A_81] : memref<100001x1024xf32, #tpu.memory_space<hbm>> -> memref<100001x1024xf32, #tpu.memory_space<hbm>>
        tpu.wait_indirect_dma semaphore(%arg7 : memref<!tpu.dma_semaphore, #tpu.memory_space<semaphore_mem>>) src(%dma_wait3A_82 : memref<100001x1024xf32, #tpu.memory_space<hbm>>) dst(%run_scoped3A : memref<24x1024xf32, #tpu.memory_space<vmem>>)
        %dma_wait3A_83 = arith.constant 0 : i32
        %dma_wait3A_84 = arith.constant 24 : i32
        %dma_wait3A_85 = tpu.memref_slice %arg5[%dma_wait3A_83, %dma_wait3A_84] : memref<32x64xi32, #tpu.memory_space<vmem>> -> memref<1x24xi32, #tpu.memory_space<vmem>>
        %dma_wait3A_86 = tpu.memref_squeeze %dma_wait3A_85 : memref<1x24xi32, #tpu.memory_space<vmem>> -> memref<24xi32, #tpu.memory_space<vmem>>
        %dma_wait3A_87 = arith.constant 0 : i32
        %dma_wait3A_88 = arith.constant 0 : i32
        %dma_wait3A_89 = tpu.memref_slice %arg3[%dma_wait3A_87, %dma_wait3A_88] : memref<100001x1024xf32, #tpu.memory_space<hbm>> -> memref<100001x1024xf32, #tpu.memory_space<hbm>>
        tpu.wait_indirect_dma semaphore(%arg7 : memref<!tpu.dma_semaphore, #tpu.memory_space<semaphore_mem>>) src(%dma_wait3A_89 : memref<100001x1024xf32, #tpu.memory_space<hbm>>) dst(%run_scoped3A_4 : memref<24x1024xf32, #tpu.memory_space<vmem>>)
        %dma_wait3A_90 = arith.constant 0 : i32
        %dma_wait3A_91 = arith.constant 48 : i32
        %dma_wait3A_92 = tpu.memref_slice %arg5[%dma_wait3A_90, %dma_wait3A_91] : memref<32x64xi32, #tpu.memory_space<vmem>> -> memref<1x2xi32, #tpu.memory_space<vmem>>
        %dma_wait3A_93 = tpu.memref_squeeze %dma_wait3A_92 : memref<1x2xi32, #tpu.memory_space<vmem>> -> memref<2xi32, #tpu.memory_space<vmem>>
        %dma_wait3A_94 = arith.constant 0 : i32
        %dma_wait3A_95 = arith.constant 0 : i32
        %dma_wait3A_96 = tpu.memref_slice %arg3[%dma_wait3A_94, %dma_wait3A_95] : memref<100001x1024xf32, #tpu.memory_space<hbm>> -> memref<100001x1024xf32, #tpu.memory_space<hbm>>
        tpu.wait_indirect_dma semaphore(%arg7 : memref<!tpu.dma_semaphore, #tpu.memory_space<semaphore_mem>>) src(%dma_wait3A_96 : memref<100001x1024xf32, #tpu.memory_space<hbm>>) dst(%run_scoped3A_6 : memref<2x1024xf32, #tpu.memory_space<vmem>>)
        %ge3A = arith.constant 2 : i32
        %ge3A_97 = arith.cmpi sge, %mul3A_75, %ge3A : i32
        %convert_element_type3A = arith.extui %ge3A_97 : i1 to i32
        %cond3A = arith.constant 0 : i32
        %cond3A_98 = arith.cmpi ne, %convert_element_type3A, %cond3A : i32
        scf.if %cond3A_98 {
          %dma_wait3A_176 = arith.constant 0 : i32
          %dma_wait3A_177 = arith.constant 0 : i32
          %dma_wait3A_178 = tpu.memref_slice %arg6[%dma_wait3A_176, %dma_wait3A_177] : memref<2x1024xf32, #tpu.memory_space<vmem>> -> memref<1x1024xf32, #tpu.memory_space<vmem>>
          %dma_wait3A_179 = arith.constant 0 : i32
          %dma_wait3A_180 = tpu.memref_slice %arg4[%mul3A_2, %dma_wait3A_179] : memref<1024x1024xf32, #tpu.memory_space<hbm>> -> memref<1x1024xf32, #tpu.memory_space<hbm>>
          %dma_wait3A_181 = arith.constant 0 : i32
          %dma_wait3A_182 = tpu.memref_slice %arg4[%mul3A_2, %dma_wait3A_181] : memref<1024x1024xf32, #tpu.memory_space<hbm>> -> memref<1x1024xf32, #tpu.memory_space<hbm>>
          %dma_wait3A_183 = arith.constant 0 : i32
          %dma_wait3A_184 = arith.constant 0 : i32
          %dma_wait3A_185 = tpu.memref_slice %arg6[%dma_wait3A_183, %dma_wait3A_184] : memref<2x1024xf32, #tpu.memory_space<vmem>> -> memref<1x1024xf32, #tpu.memory_space<vmem>>
          tpu.wait_dma2 semaphore(%arg9 : memref<!tpu.dma_semaphore, #tpu.memory_space<semaphore_mem>>) src(%dma_wait3A_185 : memref<1x1024xf32, #tpu.memory_space<vmem>>) dst(%dma_wait3A_182 : memref<1x1024xf32, #tpu.memory_space<hbm>>)
        } else {
        }
        %scan3A_99 = arith.constant 0 : i32
        %scan3A_100 = arith.constant 0 : i32
        %scan3A_101 = arith.constant 64 : i32
        %scan3A_102 = arith.addi %scan3A_100, %scan3A_101 : i32
        %scan3A_103 = arith.constant 1 : i32
        scf.for %scan3A_176 = %scan3A_100 to %scan3A_102 step %scan3A_103  : i32 {
          %mul3A_177 = arith.constant 16 : i32
          %mul3A_178 = arith.muli %scan3A_176, %mul3A_177 : i32
          %multiple_of3A = tpu.assume_multiple %mul3A_178, 16 : i32
          %get3A = arith.constant 0 : i32
          %get3A_179 = arith.index_cast %get3A : i32 to index
          %get3A_180 = arith.index_cast %multiple_of3A : i32 to index
          %get3A_181 = tpu.vector_load %run_scoped3A[%get3A_179, %get3A_180] {strides = array<i32>} : memref<24x1024xf32, #tpu.memory_space<vmem>>, vector<1x16xf32>,
          %get3A_182 = vector.shape_cast %get3A_181 : vector<1x16xf32> to vector<16xf32>
          %get3A_183 = arith.constant 1 : i32
          %get3A_184 = arith.index_cast %get3A_183 : i32 to index
          %get3A_185 = arith.index_cast %multiple_of3A : i32 to index
          %get3A_186 = tpu.vector_load %run_scoped3A[%get3A_184, %get3A_185] {strides = array<i32>} : memref<24x1024xf32, #tpu.memory_space<vmem>>, vector<1x16xf32>,
          %get3A_187 = vector.shape_cast %get3A_186 : vector<1x16xf32> to vector<16xf32>
          %get3A_188 = arith.constant 2 : i32
          %get3A_189 = arith.index_cast %get3A_188 : i32 to index
          %get3A_190 = arith.index_cast %multiple_of3A : i32 to index
          %get3A_191 = tpu.vector_load %run_scoped3A[%get3A_189, %get3A_190] {strides = array<i32>} : memref<24x1024xf32, #tpu.memory_space<vmem>>, vector<1x16xf32>,
          %get3A_192 = vector.shape_cast %get3A_191 : vector<1x16xf32> to vector<16xf32>
          %get3A_193 = arith.constant 3 : i32
          %get3A_194 = arith.index_cast %get3A_193 : i32 to index
          %get3A_195 = arith.index_cast %multiple_of3A : i32 to index
          %get3A_196 = tpu.vector_load %run_scoped3A[%get3A_194, %get3A_195] {strides = array<i32>} : memref<24x1024xf32, #tpu.memory_space<vmem>>, vector<1x16xf32>,
          %get3A_197 = vector.shape_cast %get3A_196 : vector<1x16xf32> to vector<16xf32>
          %get3A_198 = arith.constant 4 : i32
          %get3A_199 = arith.index_cast %get3A_198 : i32 to index
          %get3A_200 = arith.index_cast %multiple_of3A : i32 to index
          %get3A_201 = tpu.vector_load %run_scoped3A[%get3A_199, %get3A_200] {strides = array<i32>} : memref<24x1024xf32, #tpu.memory_space<vmem>>, vector<1x16xf32>,
          %get3A_202 = vector.shape_cast %get3A_201 : vector<1x16xf32> to vector<16xf32>
          %add3A_203 = arith.addf %get3A_182, %get3A_202 : vector<16xf32>
          %get3A_204 = arith.constant 5 : i32
          %get3A_205 = arith.index_cast %get3A_204 : i32 to index
          %get3A_206 = arith.index_cast %multiple_of3A : i32 to index
          %get3A_207 = tpu.vector_load %run_scoped3A[%get3A_205, %get3A_206] {strides = array<i32>} : memref<24x1024xf32, #tpu.memory_space<vmem>>, vector<1x16xf32>,
          %get3A_208 = vector.shape_cast %get3A_207 : vector<1x16xf32> to vector<16xf32>
          %add3A_209 = arith.addf %get3A_187, %get3A_208 : vector<16xf32>
          %get3A_210 = arith.constant 6 : i32
          %get3A_211 = arith.index_cast %get3A_210 : i32 to index
          %get3A_212 = arith.index_cast %multiple_of3A : i32 to index
          %get3A_213 = tpu.vector_load %run_scoped3A[%get3A_211, %get3A_212] {strides = array<i32>} : memref<24x1024xf32, #tpu.memory_space<vmem>>, vector<1x16xf32>,
          %get3A_214 = vector.shape_cast %get3A_213 : vector<1x16xf32> to vector<16xf32>
          %add3A_215 = arith.addf %get3A_192, %get3A_214 : vector<16xf32>
          %get3A_216 = arith.constant 7 : i32
          %get3A_217 = arith.index_cast %get3A_216 : i32 to index
          %get3A_218 = arith.index_cast %multiple_of3A : i32 to index
          %get3A_219 = tpu.vector_load %run_scoped3A[%get3A_217, %get3A_218] {strides = array<i32>} : memref<24x1024xf32, #tpu.memory_space<vmem>>, vector<1x16xf32>,
          %get3A_220 = vector.shape_cast %get3A_219 : vector<1x16xf32> to vector<16xf32>
          %add3A_221 = arith.addf %get3A_197, %get3A_220 : vector<16xf32>
          %get3A_222 = arith.constant 8 : i32
          %get3A_223 = arith.index_cast %get3A_222 : i32 to index
          %get3A_224 = arith.index_cast %multiple_of3A : i32 to index
          %get3A_225 = tpu.vector_load %run_scoped3A[%get3A_223, %get3A_224] {strides = array<i32>} : memref<24x1024xf32, #tpu.memory_space<vmem>>, vector<1x16xf32>,
          %get3A_226 = vector.shape_cast %get3A_225 : vector<1x16xf32> to vector<16xf32>
          %add3A_227 = arith.addf %add3A_203, %get3A_226 : vector<16xf32>
          %get3A_228 = arith.constant 9 : i32
          %get3A_229 = arith.index_cast %get3A_228 : i32 to index
          %get3A_230 = arith.index_cast %multiple_of3A : i32 to index
          %get3A_231 = tpu.vector_load %run_scoped3A[%get3A_229, %get3A_230] {strides = array<i32>} : memref<24x1024xf32, #tpu.memory_space<vmem>>, vector<1x16xf32>,
          %get3A_232 = vector.shape_cast %get3A_231 : vector<1x16xf32> to vector<16xf32>
          %add3A_233 = arith.addf %add3A_209, %get3A_232 : vector<16xf32>
          %get3A_234 = arith.constant 10 : i32
          %get3A_235 = arith.index_cast %get3A_234 : i32 to index
          %get3A_236 = arith.index_cast %multiple_of3A : i32 to index
          %get3A_237 = tpu.vector_load %run_scoped3A[%get3A_235, %get3A_236] {strides = array<i32>} : memref<24x1024xf32, #tpu.memory_space<vmem>>, vector<1x16xf32>,
          %get3A_238 = vector.shape_cast %get3A_237 : vector<1x16xf32> to vector<16xf32>
          %add3A_239 = arith.addf %add3A_215, %get3A_238 : vector<16xf32>
          %get3A_240 = arith.constant 11 : i32
          %get3A_241 = arith.index_cast %get3A_240 : i32 to index
          %get3A_242 = arith.index_cast %multiple_of3A : i32 to index
          %get3A_243 = tpu.vector_load %run_scoped3A[%get3A_241, %get3A_242] {strides = array<i32>} : memref<24x1024xf32, #tpu.memory_space<vmem>>, vector<1x16xf32>,
          %get3A_244 = vector.shape_cast %get3A_243 : vector<1x16xf32> to vector<16xf32>
          %add3A_245 = arith.addf %add3A_221, %get3A_244 : vector<16xf32>
          %get3A_246 = arith.constant 12 : i32
          %get3A_247 = arith.index_cast %get3A_246 : i32 to index
          %get3A_248 = arith.index_cast %multiple_of3A : i32 to index
          %get3A_249 = tpu.vector_load %run_scoped3A[%get3A_247, %get3A_248] {strides = array<i32>} : memref<24x1024xf32, #tpu.memory_space<vmem>>, vector<1x16xf32>,
          %get3A_250 = vector.shape_cast %get3A_249 : vector<1x16xf32> to vector<16xf32>
          %add3A_251 = arith.addf %add3A_227, %get3A_250 : vector<16xf32>
          %get3A_252 = arith.constant 13 : i32
          %get3A_253 = arith.index_cast %get3A_252 : i32 to index
          %get3A_254 = arith.index_cast %multiple_of3A : i32 to index
          %get3A_255 = tpu.vector_load %run_scoped3A[%get3A_253, %get3A_254] {strides = array<i32>} : memref<24x1024xf32, #tpu.memory_space<vmem>>, vector<1x16xf32>,
          %get3A_256 = vector.shape_cast %get3A_255 : vector<1x16xf32> to vector<16xf32>
          %add3A_257 = arith.addf %add3A_233, %get3A_256 : vector<16xf32>
          %get3A_258 = arith.constant 14 : i32
          %get3A_259 = arith.index_cast %get3A_258 : i32 to index
          %get3A_260 = arith.index_cast %multiple_of3A : i32 to index
          %get3A_261 = tpu.vector_load %run_scoped3A[%get3A_259, %get3A_260] {strides = array<i32>} : memref<24x1024xf32, #tpu.memory_space<vmem>>, vector<1x16xf32>,
          %get3A_262 = vector.shape_cast %get3A_261 : vector<1x16xf32> to vector<16xf32>
          %add3A_263 = arith.addf %add3A_239, %get3A_262 : vector<16xf32>
          %get3A_264 = arith.constant 15 : i32
          %get3A_265 = arith.index_cast %get3A_264 : i32 to index
          %get3A_266 = arith.index_cast %multiple_of3A : i32 to index
          %get3A_267 = tpu.vector_load %run_scoped3A[%get3A_265, %get3A_266] {strides = array<i32>} : memref<24x1024xf32, #tpu.memory_space<vmem>>, vector<1x16xf32>,
          %get3A_268 = vector.shape_cast %get3A_267 : vector<1x16xf32> to vector<16xf32>
          %add3A_269 = arith.addf %add3A_245, %get3A_268 : vector<16xf32>
          %get3A_270 = arith.constant 16 : i32
          %get3A_271 = arith.index_cast %get3A_270 : i32 to index
          %get3A_272 = arith.index_cast %multiple_of3A : i32 to index
          %get3A_273 = tpu.vector_load %run_scoped3A[%get3A_271, %get3A_272] {strides = array<i32>} : memref<24x1024xf32, #tpu.memory_space<vmem>>, vector<1x16xf32>,
          %get3A_274 = vector.shape_cast %get3A_273 : vector<1x16xf32> to vector<16xf32>
          %add3A_275 = arith.addf %add3A_251, %get3A_274 : vector<16xf32>
          %get3A_276 = arith.constant 17 : i32
          %get3A_277 = arith.index_cast %get3A_276 : i32 to index
          %get3A_278 = arith.index_cast %multiple_of3A : i32 to index
          %get3A_279 = tpu.vector_load %run_scoped3A[%get3A_277, %get3A_278] {strides = array<i32>} : memref<24x1024xf32, #tpu.memory_space<vmem>>, vector<1x16xf32>,
          %get3A_280 = vector.shape_cast %get3A_279 : vector<1x16xf32> to vector<16xf32>
          %add3A_281 = arith.addf %add3A_257, %get3A_280 : vector<16xf32>
          %get3A_282 = arith.constant 18 : i32
          %get3A_283 = arith.index_cast %get3A_282 : i32 to index
          %get3A_284 = arith.index_cast %multiple_of3A : i32 to index
          %get3A_285 = tpu.vector_load %run_scoped3A[%get3A_283, %get3A_284] {strides = array<i32>} : memref<24x1024xf32, #tpu.memory_space<vmem>>, vector<1x16xf32>,
          %get3A_286 = vector.shape_cast %get3A_285 : vector<1x16xf32> to vector<16xf32>
          %add3A_287 = arith.addf %add3A_263, %get3A_286 : vector<16xf32>
          %get3A_288 = arith.constant 19 : i32
          %get3A_289 = arith.index_cast %get3A_288 : i32 to index
          %get3A_290 = arith.index_cast %multiple_of3A : i32 to index
          %get3A_291 = tpu.vector_load %run_scoped3A[%get3A_289, %get3A_290] {strides = array<i32>} : memref<24x1024xf32, #tpu.memory_space<vmem>>, vector<1x16xf32>,
          %get3A_292 = vector.shape_cast %get3A_291 : vector<1x16xf32> to vector<16xf32>
          %add3A_293 = arith.addf %add3A_269, %get3A_292 : vector<16xf32>
          %get3A_294 = arith.constant 20 : i32
          %get3A_295 = arith.index_cast %get3A_294 : i32 to index
          %get3A_296 = arith.index_cast %multiple_of3A : i32 to index
          %get3A_297 = tpu.vector_load %run_scoped3A[%get3A_295, %get3A_296] {strides = array<i32>} : memref<24x1024xf32, #tpu.memory_space<vmem>>, vector<1x16xf32>,
          %get3A_298 = vector.shape_cast %get3A_297 : vector<1x16xf32> to vector<16xf32>
          %add3A_299 = arith.addf %add3A_275, %get3A_298 : vector<16xf32>
          %get3A_300 = arith.constant 21 : i32
          %get3A_301 = arith.index_cast %get3A_300 : i32 to index
          %get3A_302 = arith.index_cast %multiple_of3A : i32 to index
          %get3A_303 = tpu.vector_load %run_scoped3A[%get3A_301, %get3A_302] {strides = array<i32>} : memref<24x1024xf32, #tpu.memory_space<vmem>>, vector<1x16xf32>,
          %get3A_304 = vector.shape_cast %get3A_303 : vector<1x16xf32> to vector<16xf32>
          %add3A_305 = arith.addf %add3A_281, %get3A_304 : vector<16xf32>
          %get3A_306 = arith.constant 22 : i32
          %get3A_307 = arith.index_cast %get3A_306 : i32 to index
          %get3A_308 = arith.index_cast %multiple_of3A : i32 to index
          %get3A_309 = tpu.vector_load %run_scoped3A[%get3A_307, %get3A_308] {strides = array<i32>} : memref<24x1024xf32, #tpu.memory_space<vmem>>, vector<1x16xf32>,
          %get3A_310 = vector.shape_cast %get3A_309 : vector<1x16xf32> to vector<16xf32>
          %add3A_311 = arith.addf %add3A_287, %get3A_310 : vector<16xf32>
          %get3A_312 = arith.constant 23 : i32
          %get3A_313 = arith.index_cast %get3A_312 : i32 to index
          %get3A_314 = arith.index_cast %multiple_of3A : i32 to index
          %get3A_315 = tpu.vector_load %run_scoped3A[%get3A_313, %get3A_314] {strides = array<i32>} : memref<24x1024xf32, #tpu.memory_space<vmem>>, vector<1x16xf32>,
          %get3A_316 = vector.shape_cast %get3A_315 : vector<1x16xf32> to vector<16xf32>
          %add3A_317 = arith.addf %add3A_293, %get3A_316 : vector<16xf32>
          %get3A_318 = arith.constant 0 : i32
          %get3A_319 = arith.index_cast %get3A_318 : i32 to index
          %get3A_320 = arith.index_cast %multiple_of3A : i32 to index
          %get3A_321 = tpu.vector_load %run_scoped3A_4[%get3A_319, %get3A_320] {strides = array<i32>} : memref<24x1024xf32, #tpu.memory_space<vmem>>, vector<1x16xf32>,
          %get3A_322 = vector.shape_cast %get3A_321 : vector<1x16xf32> to vector<16xf32>
          %add3A_323 = arith.addf %add3A_299, %get3A_322 : vector<16xf32>
          %get3A_324 = arith.constant 1 : i32
          %get3A_325 = arith.index_cast %get3A_324 : i32 to index
          %get3A_326 = arith.index_cast %multiple_of3A : i32 to index
          %get3A_327 = tpu.vector_load %run_scoped3A_4[%get3A_325, %get3A_326] {strides = array<i32>} : memref<24x1024xf32, #tpu.memory_space<vmem>>, vector<1x16xf32>,
          %get3A_328 = vector.shape_cast %get3A_327 : vector<1x16xf32> to vector<16xf32>
          %add3A_329 = arith.addf %add3A_305, %get3A_328 : vector<16xf32>
          %get3A_330 = arith.constant 2 : i32
          %get3A_331 = arith.index_cast %get3A_330 : i32 to index
          %get3A_332 = arith.index_cast %multiple_of3A : i32 to index
          %get3A_333 = tpu.vector_load %run_scoped3A_4[%get3A_331, %get3A_332] {strides = array<i32>} : memref<24x1024xf32, #tpu.memory_space<vmem>>, vector<1x16xf32>,
          %get3A_334 = vector.shape_cast %get3A_333 : vector<1x16xf32> to vector<16xf32>
          %add3A_335 = arith.addf %add3A_311, %get3A_334 : vector<16xf32>
          %get3A_336 = arith.constant 3 : i32
          %get3A_337 = arith.index_cast %get3A_336 : i32 to index
          %get3A_338 = arith.index_cast %multiple_of3A : i32 to index
          %get3A_339 = tpu.vector_load %run_scoped3A_4[%get3A_337, %get3A_338] {strides = array<i32>} : memref<24x1024xf32, #tpu.memory_space<vmem>>, vector<1x16xf32>,
          %get3A_340 = vector.shape_cast %get3A_339 : vector<1x16xf32> to vector<16xf32>
          %add3A_341 = arith.addf %add3A_317, %get3A_340 : vector<16xf32>
          %get3A_342 = arith.constant 4 : i32
          %get3A_343 = arith.index_cast %get3A_342 : i32 to index
          %get3A_344 = arith.index_cast %multiple_of3A : i32 to index
          %get3A_345 = tpu.vector_load %run_scoped3A_4[%get3A_343, %get3A_344] {strides = array<i32>} : memref<24x1024xf32, #tpu.memory_space<vmem>>, vector<1x16xf32>,
          %get3A_346 = vector.shape_cast %get3A_345 : vector<1x16xf32> to vector<16xf32>
          %add3A_347 = arith.addf %add3A_323, %get3A_346 : vector<16xf32>
          %get3A_348 = arith.constant 5 : i32
          %get3A_349 = arith.index_cast %get3A_348 : i32 to index
          %get3A_350 = arith.index_cast %multiple_of3A : i32 to index
          %get3A_351 = tpu.vector_load %run_scoped3A_4[%get3A_349, %get3A_350] {strides = array<i32>} : memref<24x1024xf32, #tpu.memory_space<vmem>>, vector<1x16xf32>,
          %get3A_352 = vector.shape_cast %get3A_351 : vector<1x16xf32> to vector<16xf32>
          %add3A_353 = arith.addf %add3A_329, %get3A_352 : vector<16xf32>
          %get3A_354 = arith.constant 6 : i32
          %get3A_355 = arith.index_cast %get3A_354 : i32 to index
          %get3A_356 = arith.index_cast %multiple_of3A : i32 to index
          %get3A_357 = tpu.vector_load %run_scoped3A_4[%get3A_355, %get3A_356] {strides = array<i32>} : memref<24x1024xf32, #tpu.memory_space<vmem>>, vector<1x16xf32>,
          %get3A_358 = vector.shape_cast %get3A_357 : vector<1x16xf32> to vector<16xf32>
          %add3A_359 = arith.addf %add3A_335, %get3A_358 : vector<16xf32>
          %get3A_360 = arith.constant 7 : i32
          %get3A_361 = arith.index_cast %get3A_360 : i32 to index
          %get3A_362 = arith.index_cast %multiple_of3A : i32 to index
          %get3A_363 = tpu.vector_load %run_scoped3A_4[%get3A_361, %get3A_362] {strides = array<i32>} : memref<24x1024xf32, #tpu.memory_space<vmem>>, vector<1x16xf32>,
          %get3A_364 = vector.shape_cast %get3A_363 : vector<1x16xf32> to vector<16xf32>
          %add3A_365 = arith.addf %add3A_341, %get3A_364 : vector<16xf32>
          %get3A_366 = arith.constant 8 : i32
          %get3A_367 = arith.index_cast %get3A_366 : i32 to index
          %get3A_368 = arith.index_cast %multiple_of3A : i32 to index
          %get3A_369 = tpu.vector_load %run_scoped3A_4[%get3A_367, %get3A_368] {strides = array<i32>} : memref<24x1024xf32, #tpu.memory_space<vmem>>, vector<1x16xf32>,
          %get3A_370 = vector.shape_cast %get3A_369 : vector<1x16xf32> to vector<16xf32>
          %add3A_371 = arith.addf %add3A_347, %get3A_370 : vector<16xf32>
          %get3A_372 = arith.constant 9 : i32
          %get3A_373 = arith.index_cast %get3A_372 : i32 to index
          %get3A_374 = arith.index_cast %multiple_of3A : i32 to index
          %get3A_375 = tpu.vector_load %run_scoped3A_4[%get3A_373, %get3A_374] {strides = array<i32>} : memref<24x1024xf32, #tpu.memory_space<vmem>>, vector<1x16xf32>,
          %get3A_376 = vector.shape_cast %get3A_375 : vector<1x16xf32> to vector<16xf32>
          %add3A_377 = arith.addf %add3A_353, %get3A_376 : vector<16xf32>
          %get3A_378 = arith.constant 10 : i32
          %get3A_379 = arith.index_cast %get3A_378 : i32 to index
          %get3A_380 = arith.index_cast %multiple_of3A : i32 to index
          %get3A_381 = tpu.vector_load %run_scoped3A_4[%get3A_379, %get3A_380] {strides = array<i32>} : memref<24x1024xf32, #tpu.memory_space<vmem>>, vector<1x16xf32>,
          %get3A_382 = vector.shape_cast %get3A_381 : vector<1x16xf32> to vector<16xf32>
          %add3A_383 = arith.addf %add3A_359, %get3A_382 : vector<16xf32>
          %get3A_384 = arith.constant 11 : i32
          %get3A_385 = arith.index_cast %get3A_384 : i32 to index
          %get3A_386 = arith.index_cast %multiple_of3A : i32 to index
          %get3A_387 = tpu.vector_load %run_scoped3A_4[%get3A_385, %get3A_386] {strides = array<i32>} : memref<24x1024xf32, #tpu.memory_space<vmem>>, vector<1x16xf32>,
          %get3A_388 = vector.shape_cast %get3A_387 : vector<1x16xf32> to vector<16xf32>
          %add3A_389 = arith.addf %add3A_365, %get3A_388 : vector<16xf32>
          %get3A_390 = arith.constant 12 : i32
          %get3A_391 = arith.index_cast %get3A_390 : i32 to index
          %get3A_392 = arith.index_cast %multiple_of3A : i32 to index
          %get3A_393 = tpu.vector_load %run_scoped3A_4[%get3A_391, %get3A_392] {strides = array<i32>} : memref<24x1024xf32, #tpu.memory_space<vmem>>, vector<1x16xf32>,
          %get3A_394 = vector.shape_cast %get3A_393 : vector<1x16xf32> to vector<16xf32>
          %add3A_395 = arith.addf %add3A_371, %get3A_394 : vector<16xf32>
          %get3A_396 = arith.constant 13 : i32
          %get3A_397 = arith.index_cast %get3A_396 : i32 to index
          %get3A_398 = arith.index_cast %multiple_of3A : i32 to index
          %get3A_399 = tpu.vector_load %run_scoped3A_4[%get3A_397, %get3A_398] {strides = array<i32>} : memref<24x1024xf32, #tpu.memory_space<vmem>>, vector<1x16xf32>,
          %get3A_400 = vector.shape_cast %get3A_399 : vector<1x16xf32> to vector<16xf32>
          %add3A_401 = arith.addf %add3A_377, %get3A_400 : vector<16xf32>
          %get3A_402 = arith.constant 14 : i32
          %get3A_403 = arith.index_cast %get3A_402 : i32 to index
          %get3A_404 = arith.index_cast %multiple_of3A : i32 to index
          %get3A_405 = tpu.vector_load %run_scoped3A_4[%get3A_403, %get3A_404] {strides = array<i32>} : memref<24x1024xf32, #tpu.memory_space<vmem>>, vector<1x16xf32>,
          %get3A_406 = vector.shape_cast %get3A_405 : vector<1x16xf32> to vector<16xf32>
          %add3A_407 = arith.addf %add3A_383, %get3A_406 : vector<16xf32>
          %get3A_408 = arith.constant 15 : i32
          %get3A_409 = arith.index_cast %get3A_408 : i32 to index
          %get3A_410 = arith.index_cast %multiple_of3A : i32 to index
          %get3A_411 = tpu.vector_load %run_scoped3A_4[%get3A_409, %get3A_410] {strides = array<i32>} : memref<24x1024xf32, #tpu.memory_space<vmem>>, vector<1x16xf32>,
          %get3A_412 = vector.shape_cast %get3A_411 : vector<1x16xf32> to vector<16xf32>
          %add3A_413 = arith.addf %add3A_389, %get3A_412 : vector<16xf32>
          %get3A_414 = arith.constant 16 : i32
          %get3A_415 = arith.index_cast %get3A_414 : i32 to index
          %get3A_416 = arith.index_cast %multiple_of3A : i32 to index
          %get3A_417 = tpu.vector_load %run_scoped3A_4[%get3A_415, %get3A_416] {strides = array<i32>} : memref<24x1024xf32, #tpu.memory_space<vmem>>, vector<1x16xf32>,
          %get3A_418 = vector.shape_cast %get3A_417 : vector<1x16xf32> to vector<16xf32>
          %add3A_419 = arith.addf %add3A_395, %get3A_418 : vector<16xf32>
          %get3A_420 = arith.constant 17 : i32
          %get3A_421 = arith.index_cast %get3A_420 : i32 to index
          %get3A_422 = arith.index_cast %multiple_of3A : i32 to index
          %get3A_423 = tpu.vector_load %run_scoped3A_4[%get3A_421, %get3A_422] {strides = array<i32>} : memref<24x1024xf32, #tpu.memory_space<vmem>>, vector<1x16xf32>,
          %get3A_424 = vector.shape_cast %get3A_423 : vector<1x16xf32> to vector<16xf32>
          %add3A_425 = arith.addf %add3A_401, %get3A_424 : vector<16xf32>
          %get3A_426 = arith.constant 18 : i32
          %get3A_427 = arith.index_cast %get3A_426 : i32 to index
          %get3A_428 = arith.index_cast %multiple_of3A : i32 to index
          %get3A_429 = tpu.vector_load %run_scoped3A_4[%get3A_427, %get3A_428] {strides = array<i32>} : memref<24x1024xf32, #tpu.memory_space<vmem>>, vector<1x16xf32>,
          %get3A_430 = vector.shape_cast %get3A_429 : vector<1x16xf32> to vector<16xf32>
          %add3A_431 = arith.addf %add3A_407, %get3A_430 : vector<16xf32>
          %get3A_432 = arith.constant 19 : i32
          %get3A_433 = arith.index_cast %get3A_432 : i32 to index
          %get3A_434 = arith.index_cast %multiple_of3A : i32 to index
          %get3A_435 = tpu.vector_load %run_scoped3A_4[%get3A_433, %get3A_434] {strides = array<i32>} : memref<24x1024xf32, #tpu.memory_space<vmem>>, vector<1x16xf32>,
          %get3A_436 = vector.shape_cast %get3A_435 : vector<1x16xf32> to vector<16xf32>
          %add3A_437 = arith.addf %add3A_413, %get3A_436 : vector<16xf32>
          %get3A_438 = arith.constant 20 : i32
          %get3A_439 = arith.index_cast %get3A_438 : i32 to index
          %get3A_440 = arith.index_cast %multiple_of3A : i32 to index
          %get3A_441 = tpu.vector_load %run_scoped3A_4[%get3A_439, %get3A_440] {strides = array<i32>} : memref<24x1024xf32, #tpu.memory_space<vmem>>, vector<1x16xf32>,
          %get3A_442 = vector.shape_cast %get3A_441 : vector<1x16xf32> to vector<16xf32>
          %add3A_443 = arith.addf %add3A_419, %get3A_442 : vector<16xf32>
          %get3A_444 = arith.constant 21 : i32
          %get3A_445 = arith.index_cast %get3A_444 : i32 to index
          %get3A_446 = arith.index_cast %multiple_of3A : i32 to index
          %get3A_447 = tpu.vector_load %run_scoped3A_4[%get3A_445, %get3A_446] {strides = array<i32>} : memref<24x1024xf32, #tpu.memory_space<vmem>>, vector<1x16xf32>,
          %get3A_448 = vector.shape_cast %get3A_447 : vector<1x16xf32> to vector<16xf32>
          %add3A_449 = arith.addf %add3A_425, %get3A_448 : vector<16xf32>
          %get3A_450 = arith.constant 22 : i32
          %get3A_451 = arith.index_cast %get3A_450 : i32 to index
          %get3A_452 = arith.index_cast %multiple_of3A : i32 to index
          %get3A_453 = tpu.vector_load %run_scoped3A_4[%get3A_451, %get3A_452] {strides = array<i32>} : memref<24x1024xf32, #tpu.memory_space<vmem>>, vector<1x16xf32>,
          %get3A_454 = vector.shape_cast %get3A_453 : vector<1x16xf32> to vector<16xf32>
          %add3A_455 = arith.addf %add3A_431, %get3A_454 : vector<16xf32>
          %get3A_456 = arith.constant 23 : i32
          %get3A_457 = arith.index_cast %get3A_456 : i32 to index
          %get3A_458 = arith.index_cast %multiple_of3A : i32 to index
          %get3A_459 = tpu.vector_load %run_scoped3A_4[%get3A_457, %get3A_458] {strides = array<i32>} : memref<24x1024xf32, #tpu.memory_space<vmem>>, vector<1x16xf32>,
          %get3A_460 = vector.shape_cast %get3A_459 : vector<1x16xf32> to vector<16xf32>
          %add3A_461 = arith.addf %add3A_437, %get3A_460 : vector<16xf32>
          %get3A_462 = arith.constant 0 : i32
          %get3A_463 = arith.index_cast %get3A_462 : i32 to index
          %get3A_464 = arith.index_cast %multiple_of3A : i32 to index
          %get3A_465 = tpu.vector_load %run_scoped3A_6[%get3A_463, %get3A_464] {strides = array<i32>} : memref<2x1024xf32, #tpu.memory_space<vmem>>, vector<1x16xf32>,
          %get3A_466 = vector.shape_cast %get3A_465 : vector<1x16xf32> to vector<16xf32>
          %add3A_467 = arith.addf %add3A_443, %get3A_466 : vector<16xf32>
          %get3A_468 = arith.constant 1 : i32
          %get3A_469 = arith.index_cast %get3A_468 : i32 to index
          %get3A_470 = arith.index_cast %multiple_of3A : i32 to index
          %get3A_471 = tpu.vector_load %run_scoped3A_6[%get3A_469, %get3A_470] {strides = array<i32>} : memref<2x1024xf32, #tpu.memory_space<vmem>>, vector<1x16xf32>,
          %get3A_472 = vector.shape_cast %get3A_471 : vector<1x16xf32> to vector<16xf32>
          %add3A_473 = arith.addf %add3A_449, %get3A_472 : vector<16xf32>
          %add3A_474 = arith.addf %add3A_467, %add3A_473 : vector<16xf32>
          %add3A_475 = arith.addf %add3A_455, %add3A_461 : vector<16xf32>
          %add3A_476 = arith.addf %add3A_474, %add3A_475 : vector<16xf32>
          %swap3A = arith.constant 0 : i32
          %swap3A_477 = arith.index_cast %swap3A : i32 to index
          %swap3A_478 = arith.index_cast %multiple_of3A : i32 to index
          %swap3A_479 = tpu.vector_load %arg6[%swap3A_477, %swap3A_478] {strides = array<i32>} : memref<2x1024xf32, #tpu.memory_space<vmem>>, vector<1x16xf32>,
          %swap3A_480 = vector.shape_cast %swap3A_479 : vector<1x16xf32> to vector<16xf32>
          %swap3A_481 = vector.shape_cast %add3A_476 : vector<16xf32> to vector<1x16xf32>
          tpu.vector_store %arg6[%swap3A_477, %swap3A_478], %swap3A_481 {strides = array<i32>} : memref<2x1024xf32, #tpu.memory_space<vmem>>, vector<1x16xf32>,
        }
        %scan3A_104 = arith.constant 64 : i32
        %add3A_105 = arith.addi %mul3A_2, %mul3A_75 : i32
        %dma_start3A_106 = arith.constant 0 : i32
        %dma_start3A_107 = arith.constant 0 : i32
        %dma_start3A_108 = tpu.memref_slice %arg6[%dma_start3A_106, %dma_start3A_107] : memref<2x1024xf32, #tpu.memory_space<vmem>> -> memref<1x1024xf32, #tpu.memory_space<vmem>>
        %dma_start3A_109 = arith.constant 0 : i32
        %dma_start3A_110 = tpu.memref_slice %arg4[%add3A_105, %dma_start3A_109] : memref<1024x1024xf32, #tpu.memory_space<hbm>> -> memref<1x1024xf32, #tpu.memory_space<hbm>>
        %dma_start3A_111 = arith.constant 0 : i32
        %dma_start3A_112 = tpu.memref_slice %arg4[%add3A_105, %dma_start3A_111] : memref<1024x1024xf32, #tpu.memory_space<hbm>> -> memref<1x1024xf32, #tpu.memory_space<hbm>>
        %dma_start3A_113 = arith.constant 0 : i32
        %dma_start3A_114 = arith.constant 0 : i32
        %dma_start3A_115 = tpu.memref_slice %arg6[%dma_start3A_113, %dma_start3A_114] : memref<2x1024xf32, #tpu.memory_space<vmem>> -> memref<1x1024xf32, #tpu.memory_space<vmem>>
        tpu.enqueue_dma source(%dma_start3A_115 : memref<1x1024xf32, #tpu.memory_space<vmem>>) target(%dma_start3A_112 : memref<1x1024xf32, #tpu.memory_space<hbm>>) target_semaphore(%arg9 : memref<!tpu.dma_semaphore, #tpu.memory_space<semaphore_mem>>)
        %add3A_116 = arith.constant 2 : i32
        %add3A_117 = arith.addi %mul3A_75, %add3A_116 : i32
        %lt3A = arith.constant 32 : i32
        %lt3A_118 = arith.cmpi slt, %add3A_117, %lt3A : i32
        %convert_element_type3A_119 = arith.extui %lt3A_118 : i1 to i32
        %cond3A_120 = arith.constant 0 : i32
        %cond3A_121 = arith.cmpi ne, %convert_element_type3A_119, %cond3A_120 : i32
        scf.if %cond3A_121 {
          %add3A_176 = arith.constant 2 : i32
          %add3A_177 = arith.addi %mul3A_75, %add3A_176 : i32
          %dma_start3A_178 = arith.constant 0 : i32
          %dma_start3A_179 = tpu.memref_slice %arg5[%add3A_177, %dma_start3A_178] : memref<32x64xi32, #tpu.memory_space<vmem>> -> memref<1x24xi32, #tpu.memory_space<vmem>>
          %dma_start3A_180 = tpu.memref_squeeze %dma_start3A_179 : memref<1x24xi32, #tpu.memory_space<vmem>> -> memref<24xi32, #tpu.memory_space<vmem>>
          %dma_start3A_181 = arith.constant 0 : i32
          %dma_start3A_182 = arith.constant 0 : i32
          %dma_start3A_183 = tpu.memref_slice %arg3[%dma_start3A_181, %dma_start3A_182] : memref<100001x1024xf32, #tpu.memory_space<hbm>> -> memref<100001x1024xf32, #tpu.memory_space<hbm>>
          tpu.enqueue_indirect_dma source(%dma_start3A_183 : memref<100001x1024xf32, #tpu.memory_space<hbm>>) target(%run_scoped3A : memref<24x1024xf32, #tpu.memory_space<vmem>>) offsets(%dma_start3A_180 : memref<24xi32, #tpu.memory_space<vmem>>) semaphore(%arg7 : memref<!tpu.dma_semaphore, #tpu.memory_space<semaphore_mem>>)
          %dma_start3A_184 = arith.constant 24 : i32
          %dma_start3A_185 = tpu.memref_slice %arg5[%add3A_177, %dma_start3A_184] : memref<32x64xi32, #tpu.memory_space<vmem>> -> memref<1x24xi32, #tpu.memory_space<vmem>>
          %dma_start3A_186 = tpu.memref_squeeze %dma_start3A_185 : memref<1x24xi32, #tpu.memory_space<vmem>> -> memref<24xi32, #tpu.memory_space<vmem>>
          %dma_start3A_187 = arith.constant 0 : i32
          %dma_start3A_188 = arith.constant 0 : i32
          %dma_start3A_189 = tpu.memref_slice %arg3[%dma_start3A_187, %dma_start3A_188] : memref<100001x1024xf32, #tpu.memory_space<hbm>> -> memref<100001x1024xf32, #tpu.memory_space<hbm>>
          tpu.enqueue_indirect_dma source(%dma_start3A_189 : memref<100001x1024xf32, #tpu.memory_space<hbm>>) target(%run_scoped3A_4 : memref<24x1024xf32, #tpu.memory_space<vmem>>) offsets(%dma_start3A_186 : memref<24xi32, #tpu.memory_space<vmem>>) semaphore(%arg7 : memref<!tpu.dma_semaphore, #tpu.memory_space<semaphore_mem>>)
          %dma_start3A_190 = arith.constant 48 : i32
          %dma_start3A_191 = tpu.memref_slice %arg5[%add3A_177, %dma_start3A_190] : memref<32x64xi32, #tpu.memory_space<vmem>> -> memref<1x2xi32, #tpu.memory_space<vmem>>
          %dma_start3A_192 = tpu.memref_squeeze %dma_start3A_191 : memref<1x2xi32, #tpu.memory_space<vmem>> -> memref<2xi32, #tpu.memory_space<vmem>>
          %dma_start3A_193 = arith.constant 0 : i32
          %dma_start3A_194 = arith.constant 0 : i32
          %dma_start3A_195 = tpu.memref_slice %arg3[%dma_start3A_193, %dma_start3A_194] : memref<100001x1024xf32, #tpu.memory_space<hbm>> -> memref<100001x1024xf32, #tpu.memory_space<hbm>>
          tpu.enqueue_indirect_dma source(%dma_start3A_195 : memref<100001x1024xf32, #tpu.memory_space<hbm>>) target(%run_scoped3A_6 : memref<2x1024xf32, #tpu.memory_space<vmem>>) offsets(%dma_start3A_192 : memref<2xi32, #tpu.memory_space<vmem>>) semaphore(%arg7 : memref<!tpu.dma_semaphore, #tpu.memory_space<semaphore_mem>>)
        } else {
        }
        %mul3A_122 = arith.constant 2 : i32
        %mul3A_123 = arith.muli %mul3A_122, %scan3A_73 : i32
        %add3A_124 = arith.constant 1 : i32
        %add3A_125 = arith.addi %mul3A_123, %add3A_124 : i32
        %dma_wait3A_126 = arith.constant 0 : i32
        %dma_wait3A_127 = arith.constant 0 : i32
        %dma_wait3A_128 = tpu.memref_slice %arg5[%dma_wait3A_126, %dma_wait3A_127] : memref<32x64xi32, #tpu.memory_space<vmem>> -> memref<1x24xi32, #tpu.memory_space<vmem>>
        %dma_wait3A_129 = tpu.memref_squeeze %dma_wait3A_128 : memref<1x24xi32, #tpu.memory_space<vmem>> -> memref<24xi32, #tpu.memory_space<vmem>>
        %dma_wait3A_130 = arith.constant 0 : i32
        %dma_wait3A_131 = arith.constant 0 : i32
        %dma_wait3A_132 = tpu.memref_slice %arg3[%dma_wait3A_130, %dma_wait3A_131] : memref<100001x1024xf32, #tpu.memory_space<hbm>> -> memref<100001x1024xf32, #tpu.memory_space<hbm>>
        tpu.wait_indirect_dma semaphore(%arg8 : memref<!tpu.dma_semaphore, #tpu.memory_space<semaphore_mem>>) src(%dma_wait3A_132 : memref<100001x1024xf32, #tpu.memory_space<hbm>>) dst(%run_scoped3A_3 : memref<24x1024xf32, #tpu.memory_space<vmem>>)
        %dma_wait3A_133 = arith.constant 0 : i32
        %dma_wait3A_134 = arith.constant 24 : i32
        %dma_wait3A_135 = tpu.memref_slice %arg5[%dma_wait3A_133, %dma_wait3A_134] : memref<32x64xi32, #tpu.memory_space<vmem>> -> memref<1x24xi32, #tpu.memory_space<vmem>>
        %dma_wait3A_136 = tpu.memref_squeeze %dma_wait3A_135 : memref<1x24xi32, #tpu.memory_space<vmem>> -> memref<24xi32, #tpu.memory_space<vmem>>
        %dma_wait3A_137 = arith.constant 0 : i32
        %dma_wait3A_138 = arith.constant 0 : i32
        %dma_wait3A_139 = tpu.memref_slice %arg3[%dma_wait3A_137, %dma_wait3A_138] : memref<100001x1024xf32, #tpu.memory_space<hbm>> -> memref<100001x1024xf32, #tpu.memory_space<hbm>>
        tpu.wait_indirect_dma semaphore(%arg8 : memref<!tpu.dma_semaphore, #tpu.memory_space<semaphore_mem>>) src(%dma_wait3A_139 : memref<100001x1024xf32, #tpu.memory_space<hbm>>) dst(%run_scoped3A_5 : memref<24x1024xf32, #tpu.memory_space<vmem>>)
        %dma_wait3A_140 = arith.constant 0 : i32
        %dma_wait3A_141 = arith.constant 48 : i32
        %dma_wait3A_142 = tpu.memref_slice %arg5[%dma_wait3A_140, %dma_wait3A_141] : memref<32x64xi32, #tpu.memory_space<vmem>> -> memref<1x2xi32, #tpu.memory_space<vmem>>
        %dma_wait3A_143 = tpu.memref_squeeze %dma_wait3A_142 : memref<1x2xi32, #tpu.memory_space<vmem>> -> memref<2xi32, #tpu.memory_space<vmem>>
        %dma_wait3A_144 = arith.constant 0 : i32
        %dma_wait3A_145 = arith.constant 0 : i32
        %dma_wait3A_146 = tpu.memref_slice %arg3[%dma_wait3A_144, %dma_wait3A_145] : memref<100001x1024xf32, #tpu.memory_space<hbm>> -> memref<100001x1024xf32, #tpu.memory_space<hbm>>
        tpu.wait_indirect_dma semaphore(%arg8 : memref<!tpu.dma_semaphore, #tpu.memory_space<semaphore_mem>>) src(%dma_wait3A_146 : memref<100001x1024xf32, #tpu.memory_space<hbm>>) dst(%run_scoped3A_7 : memref<2x1024xf32, #tpu.memory_space<vmem>>)
        %ge3A_147 = arith.constant 2 : i32
        %ge3A_148 = arith.cmpi sge, %add3A_125, %ge3A_147 : i32
        %convert_element_type3A_149 = arith.extui %ge3A_148 : i1 to i32
        %cond3A_150 = arith.constant 0 : i32
        %cond3A_151 = arith.cmpi ne, %convert_element_type3A_149, %cond3A_150 : i32
        scf.if %cond3A_151 {
          %dma_wait3A_176 = arith.constant 1 : i32
          %dma_wait3A_177 = arith.constant 0 : i32
          %dma_wait3A_178 = tpu.memref_slice %arg6[%dma_wait3A_176, %dma_wait3A_177] : memref<2x1024xf32, #tpu.memory_space<vmem>> -> memref<1x1024xf32, #tpu.memory_space<vmem>>
          %dma_wait3A_179 = arith.constant 0 : i32
          %dma_wait3A_180 = tpu.memref_slice %arg4[%mul3A_2, %dma_wait3A_179] : memref<1024x1024xf32, #tpu.memory_space<hbm>> -> memref<1x1024xf32, #tpu.memory_space<hbm>>
          %dma_wait3A_181 = arith.constant 0 : i32
          %dma_wait3A_182 = tpu.memref_slice %arg4[%mul3A_2, %dma_wait3A_181] : memref<1024x1024xf32, #tpu.memory_space<hbm>> -> memref<1x1024xf32, #tpu.memory_space<hbm>>
          %dma_wait3A_183 = arith.constant 1 : i32
          %dma_wait3A_184 = arith.constant 0 : i32
          %dma_wait3A_185 = tpu.memref_slice %arg6[%dma_wait3A_183, %dma_wait3A_184] : memref<2x1024xf32, #tpu.memory_space<vmem>> -> memref<1x1024xf32, #tpu.memory_space<vmem>>
          tpu.wait_dma2 semaphore(%arg10 : memref<!tpu.dma_semaphore, #tpu.memory_space<semaphore_mem>>) src(%dma_wait3A_185 : memref<1x1024xf32, #tpu.memory_space<vmem>>) dst(%dma_wait3A_182 : memref<1x1024xf32, #tpu.memory_space<hbm>>)
        } else {
        }
        %scan3A_152 = arith.constant 0 : i32
        %scan3A_153 = arith.constant 0 : i32
        %scan3A_154 = arith.constant 64 : i32
        %scan3A_155 = arith.addi %scan3A_153, %scan3A_154 : i32
        %scan3A_156 = arith.constant 1 : i32
        scf.for %scan3A_176 = %scan3A_153 to %scan3A_155 step %scan3A_156  : i32 {
          %mul3A_177 = arith.constant 16 : i32
          %mul3A_178 = arith.muli %scan3A_176, %mul3A_177 : i32
          %multiple_of3A = tpu.assume_multiple %mul3A_178, 16 : i32
          %get3A = arith.constant 0 : i32
          %get3A_179 = arith.index_cast %get3A : i32 to index
          %get3A_180 = arith.index_cast %multiple_of3A : i32 to index
          %get3A_181 = tpu.vector_load %run_scoped3A_3[%get3A_179, %get3A_180] {strides = array<i32>} : memref<24x1024xf32, #tpu.memory_space<vmem>>, vector<1x16xf32>,
          %get3A_182 = vector.shape_cast %get3A_181 : vector<1x16xf32> to vector<16xf32>
          %get3A_183 = arith.constant 1 : i32
          %get3A_184 = arith.index_cast %get3A_183 : i32 to index
          %get3A_185 = arith.index_cast %multiple_of3A : i32 to index
          %get3A_186 = tpu.vector_load %run_scoped3A_3[%get3A_184, %get3A_185] {strides = array<i32>} : memref<24x1024xf32, #tpu.memory_space<vmem>>, vector<1x16xf32>,
          %get3A_187 = vector.shape_cast %get3A_186 : vector<1x16xf32> to vector<16xf32>
          %get3A_188 = arith.constant 2 : i32
          %get3A_189 = arith.index_cast %get3A_188 : i32 to index
          %get3A_190 = arith.index_cast %multiple_of3A : i32 to index
          %get3A_191 = tpu.vector_load %run_scoped3A_3[%get3A_189, %get3A_190] {strides = array<i32>} : memref<24x1024xf32, #tpu.memory_space<vmem>>, vector<1x16xf32>,
          %get3A_192 = vector.shape_cast %get3A_191 : vector<1x16xf32> to vector<16xf32>
          %get3A_193 = arith.constant 3 : i32
          %get3A_194 = arith.index_cast %get3A_193 : i32 to index
          %get3A_195 = arith.index_cast %multiple_of3A : i32 to index
          %get3A_196 = tpu.vector_load %run_scoped3A_3[%get3A_194, %get3A_195] {strides = array<i32>} : memref<24x1024xf32, #tpu.memory_space<vmem>>, vector<1x16xf32>,
          %get3A_197 = vector.shape_cast %get3A_196 : vector<1x16xf32> to vector<16xf32>
          %get3A_198 = arith.constant 4 : i32
          %get3A_199 = arith.index_cast %get3A_198 : i32 to index
          %get3A_200 = arith.index_cast %multiple_of3A : i32 to index
          %get3A_201 = tpu.vector_load %run_scoped3A_3[%get3A_199, %get3A_200] {strides = array<i32>} : memref<24x1024xf32, #tpu.memory_space<vmem>>, vector<1x16xf32>,
          %get3A_202 = vector.shape_cast %get3A_201 : vector<1x16xf32> to vector<16xf32>
          %add3A_203 = arith.addf %get3A_182, %get3A_202 : vector<16xf32>
          %get3A_204 = arith.constant 5 : i32
          %get3A_205 = arith.index_cast %get3A_204 : i32 to index
          %get3A_206 = arith.index_cast %multiple_of3A : i32 to index
          %get3A_207 = tpu.vector_load %run_scoped3A_3[%get3A_205, %get3A_206] {strides = array<i32>} : memref<24x1024xf32, #tpu.memory_space<vmem>>, vector<1x16xf32>,
          %get3A_208 = vector.shape_cast %get3A_207 : vector<1x16xf32> to vector<16xf32>
          %add3A_209 = arith.addf %get3A_187, %get3A_208 : vector<16xf32>
          %get3A_210 = arith.constant 6 : i32
          %get3A_211 = arith.index_cast %get3A_210 : i32 to index
          %get3A_212 = arith.index_cast %multiple_of3A : i32 to index
          %get3A_213 = tpu.vector_load %run_scoped3A_3[%get3A_211, %get3A_212] {strides = array<i32>} : memref<24x1024xf32, #tpu.memory_space<vmem>>, vector<1x16xf32>,
          %get3A_214 = vector.shape_cast %get3A_213 : vector<1x16xf32> to vector<16xf32>
          %add3A_215 = arith.addf %get3A_192, %get3A_214 : vector<16xf32>
          %get3A_216 = arith.constant 7 : i32
          %get3A_217 = arith.index_cast %get3A_216 : i32 to index
          %get3A_218 = arith.index_cast %multiple_of3A : i32 to index
          %get3A_219 = tpu.vector_load %run_scoped3A_3[%get3A_217, %get3A_218] {strides = array<i32>} : memref<24x1024xf32, #tpu.memory_space<vmem>>, vector<1x16xf32>,
          %get3A_220 = vector.shape_cast %get3A_219 : vector<1x16xf32> to vector<16xf32>
          %add3A_221 = arith.addf %get3A_197, %get3A_220 : vector<16xf32>
          %get3A_222 = arith.constant 8 : i32
          %get3A_223 = arith.index_cast %get3A_222 : i32 to index
          %get3A_224 = arith.index_cast %multiple_of3A : i32 to index
          %get3A_225 = tpu.vector_load %run_scoped3A_3[%get3A_223, %get3A_224] {strides = array<i32>} : memref<24x1024xf32, #tpu.memory_space<vmem>>, vector<1x16xf32>,
          %get3A_226 = vector.shape_cast %get3A_225 : vector<1x16xf32> to vector<16xf32>
          %add3A_227 = arith.addf %add3A_203, %get3A_226 : vector<16xf32>
          %get3A_228 = arith.constant 9 : i32
          %get3A_229 = arith.index_cast %get3A_228 : i32 to index
          %get3A_230 = arith.index_cast %multiple_of3A : i32 to index
          %get3A_231 = tpu.vector_load %run_scoped3A_3[%get3A_229, %get3A_230] {strides = array<i32>} : memref<24x1024xf32, #tpu.memory_space<vmem>>, vector<1x16xf32>,
          %get3A_232 = vector.shape_cast %get3A_231 : vector<1x16xf32> to vector<16xf32>
          %add3A_233 = arith.addf %add3A_209, %get3A_232 : vector<16xf32>
          %get3A_234 = arith.constant 10 : i32
          %get3A_235 = arith.index_cast %get3A_234 : i32 to index
          %get3A_236 = arith.index_cast %multiple_of3A : i32 to index
          %get3A_237 = tpu.vector_load %run_scoped3A_3[%get3A_235, %get3A_236] {strides = array<i32>} : memref<24x1024xf32, #tpu.memory_space<vmem>>, vector<1x16xf32>,
          %get3A_238 = vector.shape_cast %get3A_237 : vector<1x16xf32> to vector<16xf32>
          %add3A_239 = arith.addf %add3A_215, %get3A_238 : vector<16xf32>
          %get3A_240 = arith.constant 11 : i32
          %get3A_241 = arith.index_cast %get3A_240 : i32 to index
          %get3A_242 = arith.index_cast %multiple_of3A : i32 to index
          %get3A_243 = tpu.vector_load %run_scoped3A_3[%get3A_241, %get3A_242] {strides = array<i32>} : memref<24x1024xf32, #tpu.memory_space<vmem>>, vector<1x16xf32>,
          %get3A_244 = vector.shape_cast %get3A_243 : vector<1x16xf32> to vector<16xf32>
          %add3A_245 = arith.addf %add3A_221, %get3A_244 : vector<16xf32>
          %get3A_246 = arith.constant 12 : i32
          %get3A_247 = arith.index_cast %get3A_246 : i32 to index
          %get3A_248 = arith.index_cast %multiple_of3A : i32 to index
          %get3A_249 = tpu.vector_load %run_scoped3A_3[%get3A_247, %get3A_248] {strides = array<i32>} : memref<24x1024xf32, #tpu.memory_space<vmem>>, vector<1x16xf32>,
          %get3A_250 = vector.shape_cast %get3A_249 : vector<1x16xf32> to vector<16xf32>
          %add3A_251 = arith.addf %add3A_227, %get3A_250 : vector<16xf32>
          %get3A_252 = arith.constant 13 : i32
          %get3A_253 = arith.index_cast %get3A_252 : i32 to index
          %get3A_254 = arith.index_cast %multiple_of3A : i32 to index
          %get3A_255 = tpu.vector_load %run_scoped3A_3[%get3A_253, %get3A_254] {strides = array<i32>} : memref<24x1024xf32, #tpu.memory_space<vmem>>, vector<1x16xf32>,
          %get3A_256 = vector.shape_cast %get3A_255 : vector<1x16xf32> to vector<16xf32>
          %add3A_257 = arith.addf %add3A_233, %get3A_256 : vector<16xf32>
          %get3A_258 = arith.constant 14 : i32
          %get3A_259 = arith.index_cast %get3A_258 : i32 to index
          %get3A_260 = arith.index_cast %multiple_of3A : i32 to index
          %get3A_261 = tpu.vector_load %run_scoped3A_3[%get3A_259, %get3A_260] {strides = array<i32>} : memref<24x1024xf32, #tpu.memory_space<vmem>>, vector<1x16xf32>,
          %get3A_262 = vector.shape_cast %get3A_261 : vector<1x16xf32> to vector<16xf32>
          %add3A_263 = arith.addf %add3A_239, %get3A_262 : vector<16xf32>
          %get3A_264 = arith.constant 15 : i32
          %get3A_265 = arith.index_cast %get3A_264 : i32 to index
          %get3A_266 = arith.index_cast %multiple_of3A : i32 to index
          %get3A_267 = tpu.vector_load %run_scoped3A_3[%get3A_265, %get3A_266] {strides = array<i32>} : memref<24x1024xf32, #tpu.memory_space<vmem>>, vector<1x16xf32>,
          %get3A_268 = vector.shape_cast %get3A_267 : vector<1x16xf32> to vector<16xf32>
          %add3A_269 = arith.addf %add3A_245, %get3A_268 : vector<16xf32>
          %get3A_270 = arith.constant 16 : i32
          %get3A_271 = arith.index_cast %get3A_270 : i32 to index
          %get3A_272 = arith.index_cast %multiple_of3A : i32 to index
          %get3A_273 = tpu.vector_load %run_scoped3A_3[%get3A_271, %get3A_272] {strides = array<i32>} : memref<24x1024xf32, #tpu.memory_space<vmem>>, vector<1x16xf32>,
          %get3A_274 = vector.shape_cast %get3A_273 : vector<1x16xf32> to vector<16xf32>
          %add3A_275 = arith.addf %add3A_251, %get3A_274 : vector<16xf32>
          %get3A_276 = arith.constant 17 : i32
          %get3A_277 = arith.index_cast %get3A_276 : i32 to index
          %get3A_278 = arith.index_cast %multiple_of3A : i32 to index
          %get3A_279 = tpu.vector_load %run_scoped3A_3[%get3A_277, %get3A_278] {strides = array<i32>} : memref<24x1024xf32, #tpu.memory_space<vmem>>, vector<1x16xf32>,
          %get3A_280 = vector.shape_cast %get3A_279 : vector<1x16xf32> to vector<16xf32>
          %add3A_281 = arith.addf %add3A_257, %get3A_280 : vector<16xf32>
          %get3A_282 = arith.constant 18 : i32
          %get3A_283 = arith.index_cast %get3A_282 : i32 to index
          %get3A_284 = arith.index_cast %multiple_of3A : i32 to index
          %get3A_285 = tpu.vector_load %run_scoped3A_3[%get3A_283, %get3A_284] {strides = array<i32>} : memref<24x1024xf32, #tpu.memory_space<vmem>>, vector<1x16xf32>,
          %get3A_286 = vector.shape_cast %get3A_285 : vector<1x16xf32> to vector<16xf32>
          %add3A_287 = arith.addf %add3A_263, %get3A_286 : vector<16xf32>
          %get3A_288 = arith.constant 19 : i32
          %get3A_289 = arith.index_cast %get3A_288 : i32 to index
          %get3A_290 = arith.index_cast %multiple_of3A : i32 to index
          %get3A_291 = tpu.vector_load %run_scoped3A_3[%get3A_289, %get3A_290] {strides = array<i32>} : memref<24x1024xf32, #tpu.memory_space<vmem>>, vector<1x16xf32>,
          %get3A_292 = vector.shape_cast %get3A_291 : vector<1x16xf32> to vector<16xf32>
          %add3A_293 = arith.addf %add3A_269, %get3A_292 : vector<16xf32>
          %get3A_294 = arith.constant 20 : i32
          %get3A_295 = arith.index_cast %get3A_294 : i32 to index
          %get3A_296 = arith.index_cast %multiple_of3A : i32 to index
          %get3A_297 = tpu.vector_load %run_scoped3A_3[%get3A_295, %get3A_296] {strides = array<i32>} : memref<24x1024xf32, #tpu.memory_space<vmem>>, vector<1x16xf32>,
          %get3A_298 = vector.shape_cast %get3A_297 : vector<1x16xf32> to vector<16xf32>
          %add3A_299 = arith.addf %add3A_275, %get3A_298 : vector<16xf32>
          %get3A_300 = arith.constant 21 : i32
          %get3A_301 = arith.index_cast %get3A_300 : i32 to index
          %get3A_302 = arith.index_cast %multiple_of3A : i32 to index
          %get3A_303 = tpu.vector_load %run_scoped3A_3[%get3A_301, %get3A_302] {strides = array<i32>} : memref<24x1024xf32, #tpu.memory_space<vmem>>, vector<1x16xf32>,
          %get3A_304 = vector.shape_cast %get3A_303 : vector<1x16xf32> to vector<16xf32>
          %add3A_305 = arith.addf %add3A_281, %get3A_304 : vector<16xf32>
          %get3A_306 = arith.constant 22 : i32
          %get3A_307 = arith.index_cast %get3A_306 : i32 to index
          %get3A_308 = arith.index_cast %multiple_of3A : i32 to index
          %get3A_309 = tpu.vector_load %run_scoped3A_3[%get3A_307, %get3A_308] {strides = array<i32>} : memref<24x1024xf32, #tpu.memory_space<vmem>>, vector<1x16xf32>,
          %get3A_310 = vector.shape_cast %get3A_309 : vector<1x16xf32> to vector<16xf32>
          %add3A_311 = arith.addf %add3A_287, %get3A_310 : vector<16xf32>
          %get3A_312 = arith.constant 23 : i32
          %get3A_313 = arith.index_cast %get3A_312 : i32 to index
          %get3A_314 = arith.index_cast %multiple_of3A : i32 to index
          %get3A_315 = tpu.vector_load %run_scoped3A_3[%get3A_313, %get3A_314] {strides = array<i32>} : memref<24x1024xf32, #tpu.memory_space<vmem>>, vector<1x16xf32>,
          %get3A_316 = vector.shape_cast %get3A_315 : vector<1x16xf32> to vector<16xf32>
          %add3A_317 = arith.addf %add3A_293, %get3A_316 : vector<16xf32>
          %get3A_318 = arith.constant 0 : i32
          %get3A_319 = arith.index_cast %get3A_318 : i32 to index
          %get3A_320 = arith.index_cast %multiple_of3A : i32 to index
          %get3A_321 = tpu.vector_load %run_scoped3A_5[%get3A_319, %get3A_320] {strides = array<i32>} : memref<24x1024xf32, #tpu.memory_space<vmem>>, vector<1x16xf32>,
          %get3A_322 = vector.shape_cast %get3A_321 : vector<1x16xf32> to vector<16xf32>
          %add3A_323 = arith.addf %add3A_299, %get3A_322 : vector<16xf32>
          %get3A_324 = arith.constant 1 : i32
          %get3A_325 = arith.index_cast %get3A_324 : i32 to index
          %get3A_326 = arith.index_cast %multiple_of3A : i32 to index
          %get3A_327 = tpu.vector_load %run_scoped3A_5[%get3A_325, %get3A_326] {strides = array<i32>} : memref<24x1024xf32, #tpu.memory_space<vmem>>, vector<1x16xf32>,
          %get3A_328 = vector.shape_cast %get3A_327 : vector<1x16xf32> to vector<16xf32>
          %add3A_329 = arith.addf %add3A_305, %get3A_328 : vector<16xf32>
          %get3A_330 = arith.constant 2 : i32
          %get3A_331 = arith.index_cast %get3A_330 : i32 to index
          %get3A_332 = arith.index_cast %multiple_of3A : i32 to index
          %get3A_333 = tpu.vector_load %run_scoped3A_5[%get3A_331, %get3A_332] {strides = array<i32>} : memref<24x1024xf32, #tpu.memory_space<vmem>>, vector<1x16xf32>,
          %get3A_334 = vector.shape_cast %get3A_333 : vector<1x16xf32> to vector<16xf32>
          %add3A_335 = arith.addf %add3A_311, %get3A_334 : vector<16xf32>
          %get3A_336 = arith.constant 3 : i32
          %get3A_337 = arith.index_cast %get3A_336 : i32 to index
          %get3A_338 = arith.index_cast %multiple_of3A : i32 to index
          %get3A_339 = tpu.vector_load %run_scoped3A_5[%get3A_337, %get3A_338] {strides = array<i32>} : memref<24x1024xf32, #tpu.memory_space<vmem>>, vector<1x16xf32>,
          %get3A_340 = vector.shape_cast %get3A_339 : vector<1x16xf32> to vector<16xf32>
          %add3A_341 = arith.addf %add3A_317, %get3A_340 : vector<16xf32>
          %get3A_342 = arith.constant 4 : i32
          %get3A_343 = arith.index_cast %get3A_342 : i32 to index
          %get3A_344 = arith.index_cast %multiple_of3A : i32 to index
          %get3A_345 = tpu.vector_load %run_scoped3A_5[%get3A_343, %get3A_344] {strides = array<i32>} : memref<24x1024xf32, #tpu.memory_space<vmem>>, vector<1x16xf32>,
          %get3A_346 = vector.shape_cast %get3A_345 : vector<1x16xf32> to vector<16xf32>
          %add3A_347 = arith.addf %add3A_323, %get3A_346 : vector<16xf32>
          %get3A_348 = arith.constant 5 : i32
          %get3A_349 = arith.index_cast %get3A_348 : i32 to index
          %get3A_350 = arith.index_cast %multiple_of3A : i32 to index
          %get3A_351 = tpu.vector_load %run_scoped3A_5[%get3A_349, %get3A_350] {strides = array<i32>} : memref<24x1024xf32, #tpu.memory_space<vmem>>, vector<1x16xf32>,
          %get3A_352 = vector.shape_cast %get3A_351 : vector<1x16xf32> to vector<16xf32>
          %add3A_353 = arith.addf %add3A_329, %get3A_352 : vector<16xf32>
          %get3A_354 = arith.constant 6 : i32
          %get3A_355 = arith.index_cast %get3A_354 : i32 to index
          %get3A_356 = arith.index_cast %multiple_of3A : i32 to index
          %get3A_357 = tpu.vector_load %run_scoped3A_5[%get3A_355, %get3A_356] {strides = array<i32>} : memref<24x1024xf32, #tpu.memory_space<vmem>>, vector<1x16xf32>,
          %get3A_358 = vector.shape_cast %get3A_357 : vector<1x16xf32> to vector<16xf32>
          %add3A_359 = arith.addf %add3A_335, %get3A_358 : vector<16xf32>
          %get3A_360 = arith.constant 7 : i32
          %get3A_361 = arith.index_cast %get3A_360 : i32 to index
          %get3A_362 = arith.index_cast %multiple_of3A : i32 to index
          %get3A_363 = tpu.vector_load %run_scoped3A_5[%get3A_361, %get3A_362] {strides = array<i32>} : memref<24x1024xf32, #tpu.memory_space<vmem>>, vector<1x16xf32>,
          %get3A_364 = vector.shape_cast %get3A_363 : vector<1x16xf32> to vector<16xf32>
          %add3A_365 = arith.addf %add3A_341, %get3A_364 : vector<16xf32>
          %get3A_366 = arith.constant 8 : i32
          %get3A_367 = arith.index_cast %get3A_366 : i32 to index
          %get3A_368 = arith.index_cast %multiple_of3A : i32 to index
          %get3A_369 = tpu.vector_load %run_scoped3A_5[%get3A_367, %get3A_368] {strides = array<i32>} : memref<24x1024xf32, #tpu.memory_space<vmem>>, vector<1x16xf32>,
          %get3A_370 = vector.shape_cast %get3A_369 : vector<1x16xf32> to vector<16xf32>
          %add3A_371 = arith.addf %add3A_347, %get3A_370 : vector<16xf32>
          %get3A_372 = arith.constant 9 : i32
          %get3A_373 = arith.index_cast %get3A_372 : i32 to index
          %get3A_374 = arith.index_cast %multiple_of3A : i32 to index
          %get3A_375 = tpu.vector_load %run_scoped3A_5[%get3A_373, %get3A_374] {strides = array<i32>} : memref<24x1024xf32, #tpu.memory_space<vmem>>, vector<1x16xf32>,
          %get3A_376 = vector.shape_cast %get3A_375 : vector<1x16xf32> to vector<16xf32>
          %add3A_377 = arith.addf %add3A_353, %get3A_376 : vector<16xf32>
          %get3A_378 = arith.constant 10 : i32
          %get3A_379 = arith.index_cast %get3A_378 : i32 to index
          %get3A_380 = arith.index_cast %multiple_of3A : i32 to index
          %get3A_381 = tpu.vector_load %run_scoped3A_5[%get3A_379, %get3A_380] {strides = array<i32>} : memref<24x1024xf32, #tpu.memory_space<vmem>>, vector<1x16xf32>,
          %get3A_382 = vector.shape_cast %get3A_381 : vector<1x16xf32> to vector<16xf32>
          %add3A_383 = arith.addf %add3A_359, %get3A_382 : vector<16xf32>
          %get3A_384 = arith.constant 11 : i32
          %get3A_385 = arith.index_cast %get3A_384 : i32 to index
          %get3A_386 = arith.index_cast %multiple_of3A : i32 to index
          %get3A_387 = tpu.vector_load %run_scoped3A_5[%get3A_385, %get3A_386] {strides = array<i32>} : memref<24x1024xf32, #tpu.memory_space<vmem>>, vector<1x16xf32>,
          %get3A_388 = vector.shape_cast %get3A_387 : vector<1x16xf32> to vector<16xf32>
          %add3A_389 = arith.addf %add3A_365, %get3A_388 : vector<16xf32>
          %get3A_390 = arith.constant 12 : i32
          %get3A_391 = arith.index_cast %get3A_390 : i32 to index
          %get3A_392 = arith.index_cast %multiple_of3A : i32 to index
          %get3A_393 = tpu.vector_load %run_scoped3A_5[%get3A_391, %get3A_392] {strides = array<i32>} : memref<24x1024xf32, #tpu.memory_space<vmem>>, vector<1x16xf32>,
          %get3A_394 = vector.shape_cast %get3A_393 : vector<1x16xf32> to vector<16xf32>
          %add3A_395 = arith.addf %add3A_371, %get3A_394 : vector<16xf32>
          %get3A_396 = arith.constant 13 : i32
          %get3A_397 = arith.index_cast %get3A_396 : i32 to index
          %get3A_398 = arith.index_cast %multiple_of3A : i32 to index
          %get3A_399 = tpu.vector_load %run_scoped3A_5[%get3A_397, %get3A_398] {strides = array<i32>} : memref<24x1024xf32, #tpu.memory_space<vmem>>, vector<1x16xf32>,
          %get3A_400 = vector.shape_cast %get3A_399 : vector<1x16xf32> to vector<16xf32>
          %add3A_401 = arith.addf %add3A_377, %get3A_400 : vector<16xf32>
          %get3A_402 = arith.constant 14 : i32
          %get3A_403 = arith.index_cast %get3A_402 : i32 to index
          %get3A_404 = arith.index_cast %multiple_of3A : i32 to index
          %get3A_405 = tpu.vector_load %run_scoped3A_5[%get3A_403, %get3A_404] {strides = array<i32>} : memref<24x1024xf32, #tpu.memory_space<vmem>>, vector<1x16xf32>,
          %get3A_406 = vector.shape_cast %get3A_405 : vector<1x16xf32> to vector<16xf32>
          %add3A_407 = arith.addf %add3A_383, %get3A_406 : vector<16xf32>
          %get3A_408 = arith.constant 15 : i32
          %get3A_409 = arith.index_cast %get3A_408 : i32 to index
          %get3A_410 = arith.index_cast %multiple_of3A : i32 to index
          %get3A_411 = tpu.vector_load %run_scoped3A_5[%get3A_409, %get3A_410] {strides = array<i32>} : memref<24x1024xf32, #tpu.memory_space<vmem>>, vector<1x16xf32>,
          %get3A_412 = vector.shape_cast %get3A_411 : vector<1x16xf32> to vector<16xf32>
          %add3A_413 = arith.addf %add3A_389, %get3A_412 : vector<16xf32>
          %get3A_414 = arith.constant 16 : i32
          %get3A_415 = arith.index_cast %get3A_414 : i32 to index
          %get3A_416 = arith.index_cast %multiple_of3A : i32 to index
          %get3A_417 = tpu.vector_load %run_scoped3A_5[%get3A_415, %get3A_416] {strides = array<i32>} : memref<24x1024xf32, #tpu.memory_space<vmem>>, vector<1x16xf32>,
          %get3A_418 = vector.shape_cast %get3A_417 : vector<1x16xf32> to vector<16xf32>
          %add3A_419 = arith.addf %add3A_395, %get3A_418 : vector<16xf32>
          %get3A_420 = arith.constant 17 : i32
          %get3A_421 = arith.index_cast %get3A_420 : i32 to index
          %get3A_422 = arith.index_cast %multiple_of3A : i32 to index
          %get3A_423 = tpu.vector_load %run_scoped3A_5[%get3A_421, %get3A_422] {strides = array<i32>} : memref<24x1024xf32, #tpu.memory_space<vmem>>, vector<1x16xf32>,
          %get3A_424 = vector.shape_cast %get3A_423 : vector<1x16xf32> to vector<16xf32>
          %add3A_425 = arith.addf %add3A_401, %get3A_424 : vector<16xf32>
          %get3A_426 = arith.constant 18 : i32
          %get3A_427 = arith.index_cast %get3A_426 : i32 to index
          %get3A_428 = arith.index_cast %multiple_of3A : i32 to index
          %get3A_429 = tpu.vector_load %run_scoped3A_5[%get3A_427, %get3A_428] {strides = array<i32>} : memref<24x1024xf32, #tpu.memory_space<vmem>>, vector<1x16xf32>,
          %get3A_430 = vector.shape_cast %get3A_429 : vector<1x16xf32> to vector<16xf32>
          %add3A_431 = arith.addf %add3A_407, %get3A_430 : vector<16xf32>
          %get3A_432 = arith.constant 19 : i32
          %get3A_433 = arith.index_cast %get3A_432 : i32 to index
          %get3A_434 = arith.index_cast %multiple_of3A : i32 to index
          %get3A_435 = tpu.vector_load %run_scoped3A_5[%get3A_433, %get3A_434] {strides = array<i32>} : memref<24x1024xf32, #tpu.memory_space<vmem>>, vector<1x16xf32>,
          %get3A_436 = vector.shape_cast %get3A_435 : vector<1x16xf32> to vector<16xf32>
          %add3A_437 = arith.addf %add3A_413, %get3A_436 : vector<16xf32>
          %get3A_438 = arith.constant 20 : i32
          %get3A_439 = arith.index_cast %get3A_438 : i32 to index
          %get3A_440 = arith.index_cast %multiple_of3A : i32 to index
          %get3A_441 = tpu.vector_load %run_scoped3A_5[%get3A_439, %get3A_440] {strides = array<i32>} : memref<24x1024xf32, #tpu.memory_space<vmem>>, vector<1x16xf32>,
          %get3A_442 = vector.shape_cast %get3A_441 : vector<1x16xf32> to vector<16xf32>
          %add3A_443 = arith.addf %add3A_419, %get3A_442 : vector<16xf32>
          %get3A_444 = arith.constant 21 : i32
          %get3A_445 = arith.index_cast %get3A_444 : i32 to index
          %get3A_446 = arith.index_cast %multiple_of3A : i32 to index
          %get3A_447 = tpu.vector_load %run_scoped3A_5[%get3A_445, %get3A_446] {strides = array<i32>} : memref<24x1024xf32, #tpu.memory_space<vmem>>, vector<1x16xf32>,
          %get3A_448 = vector.shape_cast %get3A_447 : vector<1x16xf32> to vector<16xf32>
          %add3A_449 = arith.addf %add3A_425, %get3A_448 : vector<16xf32>
          %get3A_450 = arith.constant 22 : i32
          %get3A_451 = arith.index_cast %get3A_450 : i32 to index
          %get3A_452 = arith.index_cast %multiple_of3A : i32 to index
          %get3A_453 = tpu.vector_load %run_scoped3A_5[%get3A_451, %get3A_452] {strides = array<i32>} : memref<24x1024xf32, #tpu.memory_space<vmem>>, vector<1x16xf32>,
          %get3A_454 = vector.shape_cast %get3A_453 : vector<1x16xf32> to vector<16xf32>
          %add3A_455 = arith.addf %add3A_431, %get3A_454 : vector<16xf32>
          %get3A_456 = arith.constant 23 : i32
          %get3A_457 = arith.index_cast %get3A_456 : i32 to index
          %get3A_458 = arith.index_cast %multiple_of3A : i32 to index
          %get3A_459 = tpu.vector_load %run_scoped3A_5[%get3A_457, %get3A_458] {strides = array<i32>} : memref<24x1024xf32, #tpu.memory_space<vmem>>, vector<1x16xf32>,
          %get3A_460 = vector.shape_cast %get3A_459 : vector<1x16xf32> to vector<16xf32>
          %add3A_461 = arith.addf %add3A_437, %get3A_460 : vector<16xf32>
          %get3A_462 = arith.constant 0 : i32
          %get3A_463 = arith.index_cast %get3A_462 : i32 to index
          %get3A_464 = arith.index_cast %multiple_of3A : i32 to index
          %get3A_465 = tpu.vector_load %run_scoped3A_7[%get3A_463, %get3A_464] {strides = array<i32>} : memref<2x1024xf32, #tpu.memory_space<vmem>>, vector<1x16xf32>,
          %get3A_466 = vector.shape_cast %get3A_465 : vector<1x16xf32> to vector<16xf32>
          %add3A_467 = arith.addf %add3A_443, %get3A_466 : vector<16xf32>
          %get3A_468 = arith.constant 1 : i32
          %get3A_469 = arith.index_cast %get3A_468 : i32 to index
          %get3A_470 = arith.index_cast %multiple_of3A : i32 to index
          %get3A_471 = tpu.vector_load %run_scoped3A_7[%get3A_469, %get3A_470] {strides = array<i32>} : memref<2x1024xf32, #tpu.memory_space<vmem>>, vector<1x16xf32>,
          %get3A_472 = vector.shape_cast %get3A_471 : vector<1x16xf32> to vector<16xf32>
          %add3A_473 = arith.addf %add3A_449, %get3A_472 : vector<16xf32>
          %add3A_474 = arith.addf %add3A_467, %add3A_473 : vector<16xf32>
          %add3A_475 = arith.addf %add3A_455, %add3A_461 : vector<16xf32>
          %add3A_476 = arith.addf %add3A_474, %add3A_475 : vector<16xf32>
          %swap3A = arith.constant 1 : i32
          %swap3A_477 = arith.index_cast %swap3A : i32 to index
          %swap3A_478 = arith.index_cast %multiple_of3A : i32 to index
          %swap3A_479 = tpu.vector_load %arg6[%swap3A_477, %swap3A_478] {strides = array<i32>} : memref<2x1024xf32, #tpu.memory_space<vmem>>, vector<1x16xf32>,
          %swap3A_480 = vector.shape_cast %swap3A_479 : vector<1x16xf32> to vector<16xf32>
          %swap3A_481 = vector.shape_cast %add3A_476 : vector<16xf32> to vector<1x16xf32>
          tpu.vector_store %arg6[%swap3A_477, %swap3A_478], %swap3A_481 {strides = array<i32>} : memref<2x1024xf32, #tpu.memory_space<vmem>>, vector<1x16xf32>,
        }
        %scan3A_157 = arith.constant 64 : i32
        %add3A_158 = arith.addi %mul3A_2, %add3A_125 : i32
        %dma_start3A_159 = arith.constant 1 : i32
        %dma_start3A_160 = arith.constant 0 : i32
        %dma_start3A_161 = tpu.memref_slice %arg6[%dma_start3A_159, %dma_start3A_160] : memref<2x1024xf32, #tpu.memory_space<vmem>> -> memref<1x1024xf32, #tpu.memory_space<vmem>>
        %dma_start3A_162 = arith.constant 0 : i32
        %dma_start3A_163 = tpu.memref_slice %arg4[%add3A_158, %dma_start3A_162] : memref<1024x1024xf32, #tpu.memory_space<hbm>> -> memref<1x1024xf32, #tpu.memory_space<hbm>>
        %dma_start3A_164 = arith.constant 0 : i32
        %dma_start3A_165 = tpu.memref_slice %arg4[%add3A_158, %dma_start3A_164] : memref<1024x1024xf32, #tpu.memory_space<hbm>> -> memref<1x1024xf32, #tpu.memory_space<hbm>>
        %dma_start3A_166 = arith.constant 1 : i32
        %dma_start3A_167 = arith.constant 0 : i32
        %dma_start3A_168 = tpu.memref_slice %arg6[%dma_start3A_166, %dma_start3A_167] : memref<2x1024xf32, #tpu.memory_space<vmem>> -> memref<1x1024xf32, #tpu.memory_space<vmem>>
        tpu.enqueue_dma source(%dma_start3A_168 : memref<1x1024xf32, #tpu.memory_space<vmem>>) target(%dma_start3A_165 : memref<1x1024xf32, #tpu.memory_space<hbm>>) target_semaphore(%arg10 : memref<!tpu.dma_semaphore, #tpu.memory_space<semaphore_mem>>)
        %add3A_169 = arith.constant 2 : i32
        %add3A_170 = arith.addi %add3A_125, %add3A_169 : i32
        %lt3A_171 = arith.constant 32 : i32
        %lt3A_172 = arith.cmpi slt, %add3A_170, %lt3A_171 : i32
        %convert_element_type3A_173 = arith.extui %lt3A_172 : i1 to i32
        %cond3A_174 = arith.constant 0 : i32
        %cond3A_175 = arith.cmpi ne, %convert_element_type3A_173, %cond3A_174 : i32
        scf.if %cond3A_175 {
          %add3A_176 = arith.constant 2 : i32
          %add3A_177 = arith.addi %add3A_125, %add3A_176 : i32
          %dma_start3A_178 = arith.constant 0 : i32
          %dma_start3A_179 = tpu.memref_slice %arg5[%add3A_177, %dma_start3A_178] : memref<32x64xi32, #tpu.memory_space<vmem>> -> memref<1x24xi32, #tpu.memory_space<vmem>>
          %dma_start3A_180 = tpu.memref_squeeze %dma_start3A_179 : memref<1x24xi32, #tpu.memory_space<vmem>> -> memref<24xi32, #tpu.memory_space<vmem>>
          %dma_start3A_181 = arith.constant 0 : i32
          %dma_start3A_182 = arith.constant 0 : i32
          %dma_start3A_183 = tpu.memref_slice %arg3[%dma_start3A_181, %dma_start3A_182] : memref<100001x1024xf32, #tpu.memory_space<hbm>> -> memref<100001x1024xf32, #tpu.memory_space<hbm>>
          tpu.enqueue_indirect_dma source(%dma_start3A_183 : memref<100001x1024xf32, #tpu.memory_space<hbm>>) target(%run_scoped3A_3 : memref<24x1024xf32, #tpu.memory_space<vmem>>) offsets(%dma_start3A_180 : memref<24xi32, #tpu.memory_space<vmem>>) semaphore(%arg8 : memref<!tpu.dma_semaphore, #tpu.memory_space<semaphore_mem>>)
          %dma_start3A_184 = arith.constant 24 : i32
          %dma_start3A_185 = tpu.memref_slice %arg5[%add3A_177, %dma_start3A_184] : memref<32x64xi32, #tpu.memory_space<vmem>> -> memref<1x24xi32, #tpu.memory_space<vmem>>
          %dma_start3A_186 = tpu.memref_squeeze %dma_start3A_185 : memref<1x24xi32, #tpu.memory_space<vmem>> -> memref<24xi32, #tpu.memory_space<vmem>>
          %dma_start3A_187 = arith.constant 0 : i32
          %dma_start3A_188 = arith.constant 0 : i32
          %dma_start3A_189 = tpu.memref_slice %arg3[%dma_start3A_187, %dma_start3A_188] : memref<100001x1024xf32, #tpu.memory_space<hbm>> -> memref<100001x1024xf32, #tpu.memory_space<hbm>>
          tpu.enqueue_indirect_dma source(%dma_start3A_189 : memref<100001x1024xf32, #tpu.memory_space<hbm>>) target(%run_scoped3A_5 : memref<24x1024xf32, #tpu.memory_space<vmem>>) offsets(%dma_start3A_186 : memref<24xi32, #tpu.memory_space<vmem>>) semaphore(%arg8 : memref<!tpu.dma_semaphore, #tpu.memory_space<semaphore_mem>>)
          %dma_start3A_190 = arith.constant 48 : i32
          %dma_start3A_191 = tpu.memref_slice %arg5[%add3A_177, %dma_start3A_190] : memref<32x64xi32, #tpu.memory_space<vmem>> -> memref<1x2xi32, #tpu.memory_space<vmem>>
          %dma_start3A_192 = tpu.memref_squeeze %dma_start3A_191 : memref<1x2xi32, #tpu.memory_space<vmem>> -> memref<2xi32, #tpu.memory_space<vmem>>
          %dma_start3A_193 = arith.constant 0 : i32
          %dma_start3A_194 = arith.constant 0 : i32
          %dma_start3A_195 = tpu.memref_slice %arg3[%dma_start3A_193, %dma_start3A_194] : memref<100001x1024xf32, #tpu.memory_space<hbm>> -> memref<100001x1024xf32, #tpu.memory_space<hbm>>
          tpu.enqueue_indirect_dma source(%dma_start3A_195 : memref<100001x1024xf32, #tpu.memory_space<hbm>>) target(%run_scoped3A_7 : memref<2x1024xf32, #tpu.memory_space<vmem>>) offsets(%dma_start3A_192 : memref<2xi32, #tpu.memory_space<vmem>>) semaphore(%arg8 : memref<!tpu.dma_semaphore, #tpu.memory_space<semaphore_mem>>)
        } else {
        }
      }
      %scan3A_53 = arith.constant 16 : i32
      %dma_wait3A = arith.constant 0 : i32
      %dma_wait3A_54 = arith.constant 0 : i32
      %dma_wait3A_55 = tpu.memref_slice %arg6[%dma_wait3A, %dma_wait3A_54] : memref<2x1024xf32, #tpu.memory_space<vmem>> -> memref<1x1024xf32, #tpu.memory_space<vmem>>
      %dma_wait3A_56 = arith.constant 0 : i32
      %dma_wait3A_57 = tpu.memref_slice %arg4[%mul3A_2, %dma_wait3A_56] : memref<1024x1024xf32, #tpu.memory_space<hbm>> -> memref<1x1024xf32, #tpu.memory_space<hbm>>
      %dma_wait3A_58 = arith.constant 0 : i32
      %dma_wait3A_59 = tpu.memref_slice %arg4[%mul3A_2, %dma_wait3A_58] : memref<1024x1024xf32, #tpu.memory_space<hbm>> -> memref<1x1024xf32, #tpu.memory_space<hbm>>
      %dma_wait3A_60 = arith.constant 0 : i32
      %dma_wait3A_61 = arith.constant 0 : i32
      %dma_wait3A_62 = tpu.memref_slice %arg6[%dma_wait3A_60, %dma_wait3A_61] : memref<2x1024xf32, #tpu.memory_space<vmem>> -> memref<1x1024xf32, #tpu.memory_space<vmem>>
      tpu.wait_dma2 semaphore(%arg9 : memref<!tpu.dma_semaphore, #tpu.memory_space<semaphore_mem>>) src(%dma_wait3A_62 : memref<1x1024xf32, #tpu.memory_space<vmem>>) dst(%dma_wait3A_59 : memref<1x1024xf32, #tpu.memory_space<hbm>>)
      %dma_wait3A_63 = arith.constant 1 : i32
      %dma_wait3A_64 = arith.constant 0 : i32
      %dma_wait3A_65 = tpu.memref_slice %arg6[%dma_wait3A_63, %dma_wait3A_64] : memref<2x1024xf32, #tpu.memory_space<vmem>> -> memref<1x1024xf32, #tpu.memory_space<vmem>>
      %dma_wait3A_66 = arith.constant 0 : i32
      %dma_wait3A_67 = tpu.memref_slice %arg4[%mul3A_2, %dma_wait3A_66] : memref<1024x1024xf32, #tpu.memory_space<hbm>> -> memref<1x1024xf32, #tpu.memory_space<hbm>>
      %dma_wait3A_68 = arith.constant 0 : i32
      %dma_wait3A_69 = tpu.memref_slice %arg4[%mul3A_2, %dma_wait3A_68] : memref<1024x1024xf32, #tpu.memory_space<hbm>> -> memref<1x1024xf32, #tpu.memory_space<hbm>>
      %dma_wait3A_70 = arith.constant 1 : i32
      %dma_wait3A_71 = arith.constant 0 : i32
      %dma_wait3A_72 = tpu.memref_slice %arg6[%dma_wait3A_70, %dma_wait3A_71] : memref<2x1024xf32, #tpu.memory_space<vmem>> -> memref<1x1024xf32, #tpu.memory_space<vmem>>
      tpu.wait_dma2 semaphore(%arg10 : memref<!tpu.dma_semaphore, #tpu.memory_space<semaphore_mem>>) src(%dma_wait3A_72 : memref<1x1024xf32, #tpu.memory_space<vmem>>) dst(%dma_wait3A_69 : memref<1x1024xf32, #tpu.memory_space<hbm>>)
      tpu.yield
    }) : () -> ()
    return
  }
}

module attributes {stable_mosaic.version = 14 : i64} {
  func.func @body(%arg0: i32, %arg1: memref<256x1024xf32, #tpu.memory_space<vmem>>, %arg2: memref<256x50xi32, #tpu.memory_space<vmem>>, %arg3: memref<1x1024xf32, #tpu.memory_space<vmem>>, %arg4: memref<1024x582xf32, #tpu.memory_space<vmem>>, %arg5: memref<1x582xf32, #tpu.memory_space<vmem>>, %arg6: memref<256x582xf32, #tpu.memory_space<vmem>>) attributes {dimension_semantics = [#tpu.dimension_semantics<arbitrary>], iteration_bounds = array<i64: 4>, scalar_prefetch = 0 : i64, scratch_operands = 0 : i64, tpu.core_type = #tpu.core_type<tc>, window_params = [{transform_indices = @transform_0, window_bounds = array<i64: 256, 1024>}, {transform_indices = @transform_1, window_bounds = array<i64: 256, 50>}, {pipeline_mode = #tpu.pipeline_mode<synchronous>, transform_indices = @transform_2, window_bounds = array<i64: 1, 1024>}, {pipeline_mode = #tpu.pipeline_mode<synchronous>, transform_indices = @transform_3, window_bounds = array<i64: 1024, 582>}, {pipeline_mode = #tpu.pipeline_mode<synchronous>, transform_indices = @transform_4, window_bounds = array<i64: 1, 582>}, {transform_indices = @transform_5, window_bounds = array<i64: 256, 582>}]} {
    %get3A = arith.constant 0 : index
    %get3A_0 = arith.constant 0 : index
    %get3A_1 = vector.load %arg2[%get3A, %get3A_0] : memref<256x50xi32, #tpu.memory_space<vmem>>, vector<256x50xi32>
    %eq3A = arith.constant 0 : i32
    %eq3A_2 = vector.broadcast %eq3A : i32 to vector<256x50xi32>
    %eq3A_3 = arith.cmpi eq, %get3A_1, %eq3A_2 : vector<256x50xi32>
    %convert_element_type3A = arith.extui %eq3A_3 : vector<256x50xi1> to vector<256x50xi32>
    %convert_element_type3A_4 = arith.sitofp %convert_element_type3A : vector<256x50xi32> to vector<256x50xf32>
    %reduce_sum3A = arith.constant dense<0.000000e+00> : vector<256xf32>
    %reduce_sum3A_5 = vector.multi_reduction <add>, %convert_element_type3A_4, %reduce_sum3A [1] : vector<256x50xf32> to vector<256xf32>
    %broadcast_in_dim3A = vector.shape_cast %reduce_sum3A_5 : vector<256xf32> to vector<256x1xf32>
    %get3A_6 = arith.constant 0 : index
    %get3A_7 = arith.constant 0 : index
    %get3A_8 = vector.load %arg1[%get3A_6, %get3A_7] : memref<256x1024xf32, #tpu.memory_space<vmem>>, vector<256x1024xf32>
    %add3A = arith.constant 0.000000e+00 : f32
    %add3A_9 = vector.broadcast %add3A : f32 to vector<256x1xf32>
    %add3A_10 = arith.addf %broadcast_in_dim3A, %add3A_9 : vector<256x1xf32>
    %get3A_11 = arith.constant 0 : index
    %get3A_12 = arith.constant 0 : index
    %get3A_13 = vector.load %arg3[%get3A_11, %get3A_12] : memref<1x1024xf32, #tpu.memory_space<vmem>>, vector<1x1024xf32>
    %mul3A = vector.broadcast %add3A_10 : vector<256x1xf32> to vector<256x1024xf32>
    %mul3A_14 = vector.broadcast %get3A_13 : vector<1x1024xf32> to vector<256x1024xf32>
    %mul3A_15 = arith.mulf %mul3A, %mul3A_14 : vector<256x1024xf32>
    %sub3A = arith.subf %get3A_8, %mul3A_15 : vector<256x1024xf32>
    %tanh3A = math.tanh %sub3A : vector<256x1024xf32>
    %get3A_16 = arith.constant 0 : index
    %get3A_17 = arith.constant 0 : index
    %get3A_18 = vector.load %arg4[%get3A_16, %get3A_17] : memref<1024x582xf32, #tpu.memory_space<vmem>>, vector<1024x582xf32>
    %dot_general3A = arith.constant dense<0.000000e+00> : vector<256x582xf32>
    %dot_general3A_19 = tpu.matmul %tanh3A, %get3A_18, %dot_general3A {dimension_numbers = #tpu.dot_dimension_numbers<[1], [0], [0], [1], [0, 0, 1, 1], [], []>, transpose_lhs_hint = false} : vector<256x1024xf32>, vector<1024x582xf32>, vector<256x582xf32> -> vector<256x582xf32>
    %get3A_20 = arith.constant 0 : index
    %get3A_21 = arith.constant 0 : index
    %get3A_22 = vector.load %arg5[%get3A_20, %get3A_21] : memref<1x582xf32, #tpu.memory_space<vmem>>, vector<1x582xf32>
    %add3A_23 = vector.broadcast %get3A_22 : vector<1x582xf32> to vector<256x582xf32>
    %add3A_24 = arith.addf %dot_general3A_19, %add3A_23 : vector<256x582xf32>
    %reduce_max3A = arith.constant dense<0xFF800000> : vector<256xf32>
    %reduce_max3A_25 = vector.multi_reduction <maximumf>, %add3A_24, %reduce_max3A [1] : vector<256x582xf32> to vector<256xf32>
    %broadcast_in_dim3A_26 = vector.shape_cast %reduce_max3A_25 : vector<256xf32> to vector<256x1xf32>
    %sub3A_27 = vector.broadcast %broadcast_in_dim3A_26 : vector<256x1xf32> to vector<256x582xf32>
    %sub3A_28 = arith.subf %add3A_24, %sub3A_27 : vector<256x582xf32>
    %exp3A = math.exp %sub3A_28 : vector<256x582xf32>
    %reduce_sum3A_29 = arith.constant dense<0.000000e+00> : vector<256xf32>
    %reduce_sum3A_30 = vector.multi_reduction <add>, %exp3A, %reduce_sum3A_29 [1] : vector<256x582xf32> to vector<256xf32>
    %broadcast_in_dim3A_31 = vector.shape_cast %reduce_sum3A_30 : vector<256xf32> to vector<256x1xf32>
    %div3A = vector.broadcast %broadcast_in_dim3A_31 : vector<256x1xf32> to vector<256x582xf32>
    %div3A_32 = arith.divf %exp3A, %div3A : vector<256x582xf32>
    %swap3A = arith.constant 0 : index
    %swap3A_33 = arith.constant 0 : index
    %swap3A_34 = vector.load %arg6[%swap3A, %swap3A_33] : memref<256x582xf32, #tpu.memory_space<vmem>>, vector<256x582xf32>
    tpu.vector_store %arg6[%swap3A, %swap3A_33], %div3A_32 {strides = array<i32>} : memref<256x582xf32, #tpu.memory_space<vmem>>, vector<256x582xf32>,
    return
  }
  func.func @transform_0(%arg0: i32) -> (i32, i32) {
    %c0_i32 = arith.constant 0 : i32
    %c0_i32_0 = arith.constant 0 : i32
    return %arg0, %c0_i32 : i32, i32
  }
  func.func @transform_1(%arg0: i32) -> (i32, i32) {
    %c0_i32 = arith.constant 0 : i32
    %c0_i32_0 = arith.constant 0 : i32
    return %arg0, %c0_i32 : i32, i32
  }
  func.func @transform_2(%arg0: i32) -> (i32, i32) {
    %c0_i32 = arith.constant 0 : i32
    %c0_i32_0 = arith.constant 0 : i32
    %c0_i32_1 = arith.constant 0 : i32
    return %c0_i32, %c0_i32_0 : i32, i32
  }
  func.func @transform_3(%arg0: i32) -> (i32, i32) {
    %c0_i32 = arith.constant 0 : i32
    %c0_i32_0 = arith.constant 0 : i32
    %c0_i32_1 = arith.constant 0 : i32
    return %c0_i32, %c0_i32_0 : i32, i32
  }
  func.func @transform_4(%arg0: i32) -> (i32, i32) {
    %c0_i32 = arith.constant 0 : i32
    %c0_i32_0 = arith.constant 0 : i32
    %c0_i32_1 = arith.constant 0 : i32
    return %c0_i32, %c0_i32_0 : i32, i32
  }
  func.func @transform_5(%arg0: i32) -> (i32, i32) {
    %c0_i32 = arith.constant 0 : i32
    %c0_i32_0 = arith.constant 0 : i32
    return %arg0, %c0_i32 : i32, i32
  }
}

</mosaic_0001>

<sc_bundles>
// kernel: kernel.4.cloned.1.call-start
scs
__scs_entry_jumppad:
0x0: {  	(pc) =	sbr.rel $0x88, $3  }
0x1: {  	(tag) =	ssettag $0x0;
	lr =	simm.s32 $0x1  }
0x2: {  	[smem:$0x3F9D] =	sst lr;
	_ =	strace $0xD0000000  }
0x3: {  	_ = 	snop  }
0x4: {  	_ = 	snop  }
0x5: {  	_ = 	snop  }
0x6: {  	_ = 	snop  }
0x7: {  	_ = 	snop  }
__scs_overlays_trampoline_lowered:
0x8: {  	[smem:$0x3FAC] =	sst s0  }
0x9: {  	[smem:$0x3FAD] =	sst s1  }
0xa: {  	[smem:$0x3FAE] =	sst s2  }
0xb: {  	[smem:$0x3FAF] =	sst s3  }
0xc: {  	[smem:$0x3FB0] =	sst s4  }
0xd: {  	[smem:$0x3FB1] =	sst s5  }
0xe: {  	[smem:$0x3FB2] =	sst s6  }
0xf: {  	[smem:$0x3FB3] =	sst s7  }
0x10: {  	[smem:$0x3FB4] =	sst s8  }
0x11: {  	[smem:$0x3FB5] =	sst s9;
	s0 =	simm.s32 @!p0 $0x0  }
0x12: {  	s1 =	sld [smem:$0x3F9B];
	s0 =	simm.s32 @p0 $0x1  }
0x13: {  	[smem:$0x3FB6] =	sst s0;
	s0 =	simm.s32 @!p1 $0x0  }
0x14: {  	s2 =	sld [smem:$0x3F9A];
	s0 =	simm.s32 @p1 $0x1  }
0x15: {  	[smem:$0x3FB7] =	sst s0;
	s0 =	simm.s32 @!p2 $0x0  }
0x16: {  	s3 =	sld [smem:$0x3FDB];
	s0 =	simm.s32 @p2 $0x1  }
0x17: {  	s4 =	simm.s32 $0x1BF5;
	[smem:$0x3FB9] =	sst s0  }
0x18: {  	s0 =	sld [smem:$0x3F9C];
	_ =	swait.ge [sflag:s4], $0x0  }
0x19: {  	s7 =	sld [smem:$0x3F9D]  }
0x1a: {  	s8 =	sadd.s32 $0xFFFFE003, lr  }
0x1b: {  	s9 =	sadd.s32 $0xFFFFFEF7, lr;
	s5 =	simm.s32 $0xFFFFFFFF;
	p2 =	slt.u32 s8, $0xFFFFF086  }
0x1c: {  	p1 =	slt.u32 s9, $0xF7A;
	s5 =	simm.s32 @!p2 $0x0  }
0x1d: {  	s5 =	simm.s32 @p1 $0x1;
	p0 =	seq.s32 s7, s2  }
0x1e: {  	s7 =	smul.u32 @!p0 $0xF7A, s2;
	p2 =	seq.s32 @!p0 s5, $0x0  }
0x1f: {  	s9 =	smul.u32 $0xF7A, s1;
	s8 =	simm.s32 @!p0 $0x1BF5;
	p2 =	por !p2, p0  }
0x20: {  	[sflag:s8] =	ssyncset.s32 @!p0 $0xFFFFF086;
	s6 =	sadd.s32 @!p0 s3, s7;
	s7 =	simm.s32 @!p0 $0x108  }
0x21: {  	s3 =	sadd.s32 s3, s9;
	s6 =	sadd.s32 @!p0 $0x88, s6;
	s7 =	simm.s32 @p2 $0x1082  }
0x22: {  	[simem:s7], [sflag:s8] =	dma.local @!p0 [hbm:s6], $0xF7A  }
0x23: {  	s9 =	sor.u32 $0xD0000000, s2;
	s6 =	simm.s32 $0x108;
	_ =	swait.ge @!p0 [sflag:s8], $0x0  }
0x24: {  	s3 =	sadd.s32 $0x88, s3;
	s6 =	simm.s32 @!p1 $0x1082;
	[sflag:s4] =	ssyncset.s32 $0xFFFFF086  }
0x25: {  	[simem:s6], [sflag:s4] =	dma.local [hbm:s3], $0xF7A  }
0x26: {  	[smem:$0x3F9D] =	sst s1;
	(tag) =	ssettag s2;
	_ =	strace s9  }
0x27: {  	s1 =	sld [smem:$0x3FAD]  }
0x28: {  	s2 =	sld [smem:$0x3FAE]  }
0x29: {  	s4 =	sld [smem:$0x3FB0]  }
0x2a: {  	p0 =	seq.s32 s5, $0x0;
	s5 =	sld [smem:$0x3FB1]  }
0x2b: {  	s6 =	sld [smem:$0x3FB2]  }
0x2c: {  	s7 =	sld [smem:$0x3FB3]  }
0x2d: {  	s3 =	simm.s32 $0x108;
	s8 =	sld [smem:$0x3FB4]  }
0x2e: {  	s3 =	simm.s32 @!p0 $0x1082;
	s9 =	sld [smem:$0x3FB5]  }
0x2f: {  	lr =	sadd.s32 s0, s3;
	s0 =	sld [smem:$0x3FAC]  }
0x30: {  	s3 =	sld [smem:$0x3FAF]  }
0x31: {  	[smem:$0x3FB8] =	sst s10  }
0x32: {  	s10 =	sld [smem:$0x3FB6];
	_ =	sdelay $0x3  }
0x33: {  	p0 =	seq.s32 s10, $0x1;
	s10 =	sld [smem:$0x3FB8];
	_ =	sdelay $0x3  }
0x34: {  	[smem:$0x3FB8] =	sst s10  }
0x35: {  	s10 =	sld [smem:$0x3FB7];
	_ =	sdelay $0x3  }
0x36: {  	p1 =	seq.s32 s10, $0x1;
	s10 =	sld [smem:$0x3FB8];
	_ =	sdelay $0x3  }
0x37: {  	[smem:$0x3FB8] =	sst s10  }
0x38: {  	s10 =	sld [smem:$0x3FB9]  }
0x39: {  	_ = 	snop;
	(pc) =	sbr.ind lr, $3  }
0x3a: {  	_ = 	snop  }
0x3b: {  	_ = 	snop  }
0x3c: {  	p2 =	seq.s32 s10, $0x1;
	s10 =	sld [smem:$0x3FB8]  }
0x3d: {  	_ =	shalt  }
0x3e: {  	_ =	shalt  }
0x3f: {  	_ =	shalt  }
0x40: {  	_ =	shalt  }
0x41: {  	_ =	shalt  }
0x42: {  	_ =	shalt  }
0x43: {  	_ =	shalt  }
0x44: {  	_ =	shalt  }
0x45: {  	_ =	shalt  }
0x46: {  	_ =	shalt  }
0x47: {  	_ =	shalt  }
0x48: {  	_ =	shalt  }
0x49: {  	_ =	shalt  }
0x4a: {  	_ =	shalt  }
0x4b: {  	_ =	shalt  }
0x4c: {  	_ =	shalt  }
0x4d: {  	_ =	shalt  }
0x4e: {  	_ =	shalt  }
0x4f: {  	_ =	shalt  }
0x50: {  	_ =	shalt  }
0x51: {  	_ =	shalt  }
0x52: {  	_ =	shalt  }
0x53: {  	_ =	shalt  }
0x54: {  	_ =	shalt  }
0x55: {  	_ =	shalt  }
0x56: {  	_ =	shalt  }
0x57: {  	_ =	shalt  }
0x58: {  	_ =	shalt  }
0x59: {  	_ =	shalt  }
0x5a: {  	_ =	shalt  }
0x5b: {  	_ =	shalt  }
0x5c: {  	_ =	shalt  }
0x5d: {  	_ =	shalt  }
0x5e: {  	_ =	shalt  }
0x5f: {  	_ =	shalt  }
0x60: {  	_ =	shalt  }
0x61: {  	_ =	shalt  }
0x62: {  	_ =	shalt  }
0x63: {  	_ =	shalt  }
0x64: {  	_ =	shalt  }
0x65: {  	_ =	shalt  }
0x66: {  	_ =	shalt  }
0x67: {  	_ =	shalt  }
0x68: {  	_ =	shalt  }
0x69: {  	_ =	shalt  }
0x6a: {  	_ =	shalt  }
0x6b: {  	_ =	shalt  }
0x6c: {  	_ =	shalt  }
0x6d: {  	_ =	shalt  }
0x6e: {  	_ =	shalt  }
0x6f: {  	_ =	shalt  }
0x70: {  	_ =	shalt  }
0x71: {  	_ =	shalt  }
0x72: {  	_ =	shalt  }
0x73: {  	_ =	shalt  }
0x74: {  	_ =	shalt  }
0x75: {  	_ =	shalt  }
0x76: {  	_ =	shalt  }
0x77: {  	_ =	shalt  }
0x78: {  	_ =	shalt  }
0x79: {  	_ =	shalt  }
0x7a: {  	_ =	shalt  }
0x7b: {  	_ =	shalt  }
0x7c: {  	_ =	shalt  }
0x7d: {  	_ =	shalt  }
0x7e: {  	_ =	shalt  }
0x7f: {  	_ =	shalt  }
0x80: {  	_ =	shalt  }
0x81: {  	_ =	shalt  }
0x82: {  	_ =	shalt  }
0x83: {  	_ =	shalt  }
0x84: {  	_ =	shalt  }
0x85: {  	_ =	shalt  }
0x86: {  	_ =	shalt  }
0x87: {  	_ =	shalt  }
.Lfunc_end0:
.L_simem_size_0:
called_computation_lowered:
.L_overlay_start_0:
0x88: {  	s2 =	sld [smem:$0x3FD9]  }
0x89: {  	s3 =	sld [smem:$0x3FFE];
	_ =	sdelay $0x1  }
0x8a: {  	s1 =	srdreg.scid  }
0x8b: {  	s0 =	sand.u32 $0x1, s1  }
0x8c: {  	s17 =	sshll.u32 s0, $0xA;
	s2 =	sadd.s32 s3, s2  }
0x8d: {  	s2 =	sadd.s32 s2, s17  }
0x8e: {  	[smem:$0x3FC4] =	sst s2  }
0x8f: {  	_ = 	snop  }
0x90: {  	s2 =	sld [smem:$0x3FC8]  }
0x91: {  	s18 =	sld [smem:$0x3FD0];
	(tm) =	ssettm $0x1  }
0x92: {  	s4 =	sld [smem:$0x3FFB];
	_ =	sdelay $0x3  }
0x93: {  	_ =	strace s4  }
0x94: {  	s4 =	sld [smem:$0x3FFC];
	_ =	sdelay $0x3  }
0x95: {  	_ =	strace s4  }
0x96: {  	s4 =	sld [smem:$0x3FFD];
	_ =	sdelay $0x3  }
0x97: {  	_ =	strace s4  }
0x98: {  	_ =	strace $0x8FFFFFFF  }
0x99: {  	s19 =	sld [smem:$0x3FDB];
	_ =	sdelay $0x1  }
0x9a: {  	s5 =	simm.s32 $_scs_section_size  }
0x9b: {  	s6 =	simm.s32 $_size__tile_overlayer_lowered;
	s7 =	simm.s32 $_tile_overlayer_lowered  }
0x9c: {  	s22 =	simm.s32 $0x1BFF;
	s21 =	sshll.u32 s7, $0x1;
	s4 =	sadd.s32 s5, s19  }
0x9d: {  	s8 =	simm.s32 $0x0;
	s20 =	sshll.u32 s6, $0x1;
	s6 =	sadd.s32 s21, s4  }
0x9e: {  	[timem:s8], [sflag:s22] =	dma.local [hbm:s6], s20  }
0x9f: {  	_ =	swait.ge [sflag:s22], s20  }
0xa0: {  	s5 =	ssub.s32 $0x0, s20;
	[sflag:s22] =	ssyncset.done $0x0  }
0xa1: {  	[sflag:s22] =	ssyncadd.s32 s5;
	_ =	sdelay $0x1  }
0xa2: {  	s23 =	simm.s32 $0x1B8B  }
0xa3: {  	_ =	swait.ge [sflag:s23], $0x1  }
0xa4: {  	[sflag:s23] =	ssyncset.done $0x0  }
0xa5: {  	s25 =	simm.s32 $0x1B8E;
	s24 =	sld [smem:$0x3FFE];
	[sflag:s23] =	ssyncadd.s32 $0xFFFFFFFF  }
0xa6: {  	s26 =	simm.s32 $execute0_lowered;
	[smem:$0x3FD2] =	sst s25  }
0xa7: {  	s6 =	sshll.u32 s26, $0x1;
	_ =	strace $0x80000046;
	[dreg:$0x1] =	wrdreg $0xFFFFFFFF  }
0xa8: {  	s28 =	simm.s32 $_size_execute0_lowered;
	s4 =	sadd.s32 s4, s6;
	[dreg:$0x0] =	wrdreg $0x0  }
0xa9: {  	s6 =	sshll.u32 s28, $0x1;
	[dreg:$0x2] =	wrdreg s4  }
0xaa: {  	[dreg:$0x3] =	wrdreg s6  }
0xab: {  	[dreg:$0x4] =	wrdreg $0xC0  }
0xac: {  	_ =	task [dreg:s8], $0x5FFFF  }
0xad: {  	[dreg:$0x1] =	wrdreg $0xFFFFFFFF  }
0xae: {  	[dreg:$0x0] =	wrdreg $0x60  }
0xaf: {  	[dreg:$0x2] =	wrdreg s18  }
0xb0: {  	[dreg:$0x3] =	wrdreg s2  }
0xb1: {  	[dreg:$0x4] =	wrdreg s24  }
0xb2: {  	[dreg:$0x5] =	wrdreg $0x9  }
0xb3: {  	_ =	task.clear_ibuf [dreg:s8], $0x6FFFF;
	_ =	strace $0x90000046  }
0xb4: {  	s29 =	simm.s32 $0x9;
	_ =	strace $0x80000048  }
0xb5: {  	_ =	swait.ge [sflag:s29], $0x1  }
0xb6: {  	[sflag:s29] =	ssyncadd.s32 $0xFFFFFFFF  }
0xb7: {  	_ =	strace $0x90000048  }
0xb8: {  	_ =	sfence  }
0xb9: {  	s30 =	sld [smem:$0x0];
	_ =	sdelay $0x2  }
0xba: {  	s31 =	sshll.u32 s1, $0xD;
	s1 =	sshrl.u32 s1, $0x2  }
0xbb: {  	s3 =	sand.u32 $0x4000, s31;
	s1 =	sadd.s32 s1, s30  }
0xbc: {  	s0 =	sor.u32 s3, s0;
	s1 =	sshll.u32 s1, $0x11  }
0xbd: {  	s0 =	sor.u32 s1, s0  }
0xbe: {  	s0 =	sadd.s32 $0x8F2B, s0  }
0xbf: {  	[sflag:s0] =	ssyncadd.remote.s32 $0x1  }
0xc0: {  	_ =	sfence.sel $0xFFFF  }
0xc1: {  	[dreg:$0x0] =	wrdreg $0xFFFFFFFF;
	(pc) =	sbr.abs _section_cstart, $3  }
0xc2: {  	[dreg:$0x1] =	wrdreg $0xFFFFFFFF  }
0xc3: {  	_ =	task.clear_ibuf [dreg:s8], $0x2FFFF;
	_ =	strace $0x9FFFFFFF  }
0xc4: {  	(tm) =	ssettm $0x7FFFFFFF  }
0xc5: {  	_ =	shalt  }
tec
execute0_lowered:
.L_overlay_start_1:
0x0: {  	(tag) =	ssettag $0x1  }
0x1: {  	s0 =	rddreg [dreg:$0x0]  }
0x2: {  	s1 =	rddreg [dreg:$0x1]  }
0x3: {  	s2 =	rddreg [dreg:$0x2];
	s3 =	simm.s32 $0x0  }
0x4: {  	s4 =	srdreg.scid;
	s6 =	stileid.u32;
	s14 =	simm.s32 $0x1  }
0x5: {  	s20 =	simm.s32 $0x1500;
	s21 =	simm.s32 $0x1600;
	s22 =	simm.s32 $0x1700  }
0x6: {  	s23 =	simm.s32 $0x2;
	s28 =	simm.s32 $0x1380;
	s29 =	simm.s32 $0x1480  }
0x7: {  	s30 =	simm.s32 $0x1580;
	s31 =	simm.s32 $0x1680;
	s10 =	simm.s32 $0x0  }
0x8: {  	[smem:$0x7FF] =	sst s3;
	s4 =	sand.u32 $0x1, s4;
	s6 =	sshll.u32 s6, $0x6  }
0x9: {  	s8 =	sadd.s32 $0x300, s1;
	s5 =	ssub.s32 $0x2, s4;
	s4 =	sshll.u32 s4, $0x5  }
0xa: {  	_ =	strace $0x80000047;
	s7 =	sshrl.u32 s5, $0x1;
	s9 =	sor.u32 s4, s6  }
.Ltmp0:
0xb: {  	s4 =	sadd.s32 $0x4E00, s2;
	s6 =	sadd.s32 $0x100, s1;
	(pc) =	sbr.rel .LBB2_1-.Ltmp0, $4  }
0xc: {  	v3 =	vlaneseq.u32;
	s24 =	ssub.s32 s5, s7;
	s25 =	sshll.u32 s9, $0x4;
	s7 =	sadd.s32 $0x200, s1  }
0xd: {  	vm0 =	vmmov $0xffff;
	v0 =	vand.u32 $0x7, v3;
	s9 =	sshll.u32 s9, $0x7;
	s0 =	sadd.s32 s0, s25;
	s26 =	smax.u32 s24, $0x1  }
0xe: {  	v1 =	vshrl.u32 v3, $0x3;
	v4 =	vshrl.u32 v3, $0x1;
	v2 =	vor.u32 $0x8, v3;
	s24 =	simm.s32 $0x1080;
	s25 =	simm.s32 $0x1180;
	[dreg:$0x4] =	wrdreg s0  }
0xf: {  	v3 =	vand.u32 $0x1, v3;
	v1 =	vmul.u32 $0x8, v1;
	v4 =	vmul.u32 $0x8, v4;
	[dreg:$0x5] =	wrdreg s26;
	s26 =	simm.s32 $0x1280;
	s0 =	simm.s32 $0x1780  }
.LBB2_10:
0x10: {  	s2 =	simm.s32 $0x3  }
0x11: {  	_ =	swait.ge [sflag:s2], $0x400  }
0x12: {  	[sflag:s2] =	ssyncset.done $0x0  }
0x13: {  	s5 =	simm.s32 $0x4;
	[sflag:s2] =	ssyncadd.s32 $0xFFFFFC00  }
0x14: {  	_ =	swait.ge [sflag:s5], $0x400  }
0x15: {  	s10 =	rddreg [dreg:$0x6]  }
0x16: {  	s19 =	rddreg [dreg:$0x5];
	s10 =	sadd.s32 $0x1, s10  }
0x17: {  	p0 =	sne.s32 s10, s19  }
.Ltmp1:
0x18: {  	_ = 	snop;
	(pc) =	sbr.rel @!p0 .LBB2_11-.Ltmp1, $3  }
0x19: {  	_ =	sdelay $0x1  }
0x1a: {  	[sflag:s5] =	ssyncset.done $0x0  }
0x1b: {  	[sflag:s5] =	ssyncadd.s32 $0xFFFFFC00  }
.LBB2_1:
0x1c: {  	[dreg:$0x6] =	wrdreg s10  }
0x1d: {  	s2 =	rddreg [dreg:$0x4];
	s19 =	simm.s32 $0x5  }
0x1e: {  	[tilespmem:s3], [sflag:$0x5] =	stream.linear.gather [hbm4b:s2+s3], $0x1000, $0x38;
	[tilespmem:$0x1A800] =	vst v63  }
0x1f: {  	_ =	swait.ge [sflag:s19], $0x1000  }
0x20: {  	[sflag:s19] =	ssyncset.done $0x0  }
0x21: {  	[sflag:s19] =	ssyncadd.s32 $0xFFFFF000  }
0x22: {  	v5 =	vld [tilespmem:$0x0];
	_ =	sdelay $0x4  }
0x23: {  	v6 =	vshll.u32 v5, $0x3  }
0x24: {  	v5 =	vand.u32 $0x7, v5;
	v6 =	vand.u32 $0xFFFFFFC0, v6  }
0x25: {  	v5 =	vor.u32 v5, v6  }
0x26: {  	v6 =	vperm.xlane v5, v0;
	_ =	sdelay $0x1  }
0x27: {  	v6 =	vadd.s32 v1, v6;
	_ =	sdelay $0x3  }
0x28: {  	s5 =	simm.s32 $0x1800  }
0x29: {  	[tilespmem:s5], [sflag:$0x1] =	stream.indirect_vreg.gather [hbm4b:s1+s3], $0x80, v6, vm0, $0xb8;
	[tilespmem:$0x1A800] =	vst v63  }
0x2a: {  	s10 =	simm.s32 $0x2000;
	v5 =	vperm.xlane v5, v2  }
0x2b: {  	[tilespmem:s10], [sflag:$0x1] =	stream.indirect_vreg.gather [hbm4b:s6+s3], $0x80, v6, vm0, $0xb8;
	[tilespmem:$0x1A800] =	vst v63  }
0x2c: {  	s11 =	simm.s32 $0x2800;
	v5 =	vadd.s32 v1, v5  }
0x2d: {  	[tilespmem:s11], [sflag:$0x1] =	stream.indirect_vreg.gather [hbm4b:s7+s3], $0x80, v6, vm0, $0xb8;
	[tilespmem:$0x1A800] =	vst v63  }
0x2e: {  	s12 =	simm.s32 $0x3000  }
0x2f: {  	[tilespmem:s12], [sflag:$0x1] =	stream.indirect_vreg.gather [hbm4b:s8+s3], $0x80, v6, vm0, $0xb8;
	[tilespmem:$0x1A800] =	vst v63  }
0x30: {  	s13 =	simm.s32 $0x3800  }
0x31: {  	[tilespmem:s13], [sflag:$0x1] =	stream.indirect_vreg.gather [hbm4b:s1+s3], $0x80, v5, vm0, $0xb8;
	[tilespmem:$0x1A800] =	vst v63  }
0x32: {  	s15 =	simm.s32 $0x4000  }
0x33: {  	[tilespmem:s15], [sflag:$0x1] =	stream.indirect_vreg.gather [hbm4b:s6+s3], $0x80, v5, vm0, $0xb8;
	[tilespmem:$0x1A800] =	vst v63  }
0x34: {  	s16 =	simm.s32 $0x4800  }
0x35: {  	[tilespmem:s16], [sflag:$0x1] =	stream.indirect_vreg.gather [hbm4b:s7+s3], $0x80, v5, vm0, $0xb8;
	[tilespmem:$0x1A800] =	vst v63  }
0x36: {  	s17 =	simm.s32 $0x5000  }
0x37: {  	[tilespmem:s17], [sflag:$0x1] =	stream.indirect_vreg.gather [hbm4b:s8+s3], $0x80, v5, vm0, $0xb8;
	[tilespmem:$0x1A800] =	vst v63  }
0x38: {  	v5 =	vld.msk [tilespmem:$0x10], $0xff;
	_ =	sdelay $0x4  }
0x39: {  	v6 =	vshll.u32 v5, $0x3  }
0x3a: {  	v5 =	vand.u32 $0x7, v5;
	v6 =	vand.u32 $0xFFFFFFC0, v6  }
0x3b: {  	v5 =	vor.u32 v5, v6  }
0x3c: {  	v5 =	vperm.xlane v5, v0;
	_ =	sdelay $0x1  }
0x3d: {  	v5 =	vadd.s32 v1, v5;
	_ =	sdelay $0x3  }
0x3e: {  	s18 =	simm.s32 $0x5800  }
0x3f: {  	[tilespmem:s18], [sflag:$0x1] =	stream.indirect_vreg.gather [hbm4b:s1+s3], $0x80, v5, vm0, $0xb8;
	[tilespmem:$0x1A800] =	vst v63  }
0x40: {  	s19 =	simm.s32 $0x6000  }
0x41: {  	[tilespmem:s19], [sflag:$0x1] =	stream.indirect_vreg.gather [hbm4b:s6+s3], $0x80, v5, vm0, $0xb8;
	[tilespmem:$0x1A800] =	vst v63  }
0x42: {  	s5 =	simm.s32 $0x6800  }
0x43: {  	[tilespmem:s5], [sflag:$0x1] =	stream.indirect_vreg.gather [hbm4b:s7+s3], $0x80, v5, vm0, $0xb8;
	[tilespmem:$0x1A800] =	vst v63  }
0x44: {  	s10 =	simm.s32 $0x7000  }
0x45: {  	[tilespmem:s10], [sflag:$0x1] =	stream.indirect_vreg.gather [hbm4b:s8+s3], $0x80, v5, vm0, $0xb8;
	[tilespmem:$0x1A800] =	vst v63  }
0x46: {  	v5 =	vld [tilespmem:$0x18];
	_ =	sdelay $0x4  }
0x47: {  	v6 =	vshll.u32 v5, $0x3  }
0x48: {  	v5 =	vand.u32 $0x7, v5;
	v6 =	vand.u32 $0xFFFFFFC0, v6  }
0x49: {  	v5 =	vor.u32 v5, v6  }
0x4a: {  	v6 =	vperm.xlane v5, v0;
	_ =	sdelay $0x1  }
0x4b: {  	v6 =	vadd.s32 v1, v6;
	_ =	sdelay $0x3  }
0x4c: {  	s11 =	simm.s32 $0xD800  }
0x4d: {  	[tilespmem:s11], [sflag:$0x1] =	stream.indirect_vreg.gather [hbm4b:s1+s3], $0x80, v6, vm0, $0xb8;
	[tilespmem:$0x1A800] =	vst v63  }
0x4e: {  	s12 =	simm.s32 $0xE000;
	v5 =	vperm.xlane v5, v2  }
0x4f: {  	[tilespmem:s12], [sflag:$0x1] =	stream.indirect_vreg.gather [hbm4b:s6+s3], $0x80, v6, vm0, $0xb8;
	[tilespmem:$0x1A800] =	vst v63  }
0x50: {  	s13 =	simm.s32 $0xE800;
	v5 =	vadd.s32 v1, v5  }
0x51: {  	[tilespmem:s13], [sflag:$0x1] =	stream.indirect_vreg.gather [hbm4b:s7+s3], $0x80, v6, vm0, $0xb8;
	[tilespmem:$0x1A800] =	vst v63  }
0x52: {  	s15 =	simm.s32 $0xF000  }
0x53: {  	[tilespmem:s15], [sflag:$0x1] =	stream.indirect_vreg.gather [hbm4b:s8+s3], $0x80, v6, vm0, $0xb8;
	[tilespmem:$0x1A800] =	vst v63  }
0x54: {  	s16 =	simm.s32 $0xF800  }
0x55: {  	[tilespmem:s16], [sflag:$0x1] =	stream.indirect_vreg.gather [hbm4b:s1+s3], $0x80, v5, vm0, $0xb8;
	[tilespmem:$0x1A800] =	vst v63  }
0x56: {  	s17 =	simm.s32 $0x10000  }
0x57: {  	[tilespmem:s17], [sflag:$0x1] =	stream.indirect_vreg.gather [hbm4b:s6+s3], $0x80, v5, vm0, $0xb8;
	[tilespmem:$0x1A800] =	vst v63  }
0x58: {  	s18 =	simm.s32 $0x10800  }
0x59: {  	[tilespmem:s18], [sflag:$0x1] =	stream.indirect_vreg.gather [hbm4b:s7+s3], $0x80, v5, vm0, $0xb8;
	[tilespmem:$0x1A800] =	vst v63  }
0x5a: {  	s19 =	simm.s32 $0x11000  }
0x5b: {  	[tilespmem:s19], [sflag:$0x1] =	stream.indirect_vreg.gather [hbm4b:s8+s3], $0x80, v5, vm0, $0xb8;
	[tilespmem:$0x1A800] =	vst v63  }
0x5c: {  	v5 =	vld.msk [tilespmem:$0x28], $0xff;
	_ =	sdelay $0x4  }
0x5d: {  	v6 =	vshll.u32 v5, $0x3  }
0x5e: {  	v5 =	vand.u32 $0x7, v5;
	v6 =	vand.u32 $0xFFFFFFC0, v6  }
0x5f: {  	v5 =	vor.u32 v5, v6  }
0x60: {  	v5 =	vperm.xlane v5, v0;
	_ =	sdelay $0x1  }
0x61: {  	v5 =	vadd.s32 v1, v5;
	_ =	sdelay $0x3  }
0x62: {  	s5 =	simm.s32 $0x11800  }
0x63: {  	[tilespmem:s5], [sflag:$0x1] =	stream.indirect_vreg.gather [hbm4b:s1+s3], $0x80, v5, vm0, $0xb8;
	[tilespmem:$0x1A800] =	vst v63  }
0x64: {  	s10 =	simm.s32 $0x12000  }
0x65: {  	[tilespmem:s10], [sflag:$0x1] =	stream.indirect_vreg.gather [hbm4b:s6+s3], $0x80, v5, vm0, $0xb8;
	[tilespmem:$0x1A800] =	vst v63  }
0x66: {  	s11 =	simm.s32 $0x12800  }
0x67: {  	[tilespmem:s11], [sflag:$0x1] =	stream.indirect_vreg.gather [hbm4b:s7+s3], $0x80, v5, vm0, $0xb8;
	[tilespmem:$0x1A800] =	vst v63  }
0x68: {  	s12 =	simm.s32 $0x13000  }
0x69: {  	[tilespmem:s12], [sflag:$0x1] =	stream.indirect_vreg.gather [hbm4b:s8+s3], $0x80, v5, vm0, $0xb8;
	[tilespmem:$0x1A800] =	vst v63  }
0x6a: {  	v5 =	vld.msk [tilespmem:$0x30], $0x3;
	_ =	sdelay $0x4  }
0x6b: {  	v6 =	vshll.u32 v5, $0x3  }
0x6c: {  	v5 =	vand.u32 $0x7, v5;
	v6 =	vand.u32 $0xFFFFFFC0, v6  }
0x6d: {  	v5 =	vor.u32 v5, v6  }
0x6e: {  	v5 =	vperm.xlane v5, v3;
	_ =	sdelay $0x1  }
0x6f: {  	v5 =	vadd.s32 v4, v5;
	_ =	sdelay $0x3  }
0x70: {  	s13 =	simm.s32 $0x19800  }
0x71: {  	[tilespmem:s13], [sflag:$0x1] =	stream.indirect_vreg.gather [hbm4b:s1+s3], $0x80, v5, vm0, $0xb8;
	[tilespmem:$0x1A800] =	vst v63  }
0x72: {  	v5 =	vld [tilespmem:$0x80];
	_ =	sdelay $0x4  }
0x73: {  	v6 =	vshll.u32 v5, $0x3  }
0x74: {  	v5 =	vand.u32 $0x7, v5;
	v6 =	vand.u32 $0xFFFFFFC0, v6  }
0x75: {  	v5 =	vor.u32 v5, v6  }
0x76: {  	v6 =	vperm.xlane v5, v0;
	_ =	sdelay $0x1  }
0x77: {  	v6 =	vadd.s32 v1, v6;
	_ =	sdelay $0x3  }
0x78: {  	s15 =	simm.s32 $0x7800  }
0x79: {  	[tilespmem:s15], [sflag:$0x2] =	stream.indirect_vreg.gather [hbm4b:s1+s3], $0x80, v6, vm0, $0xb8;
	[tilespmem:$0x1A800] =	vst v63  }
0x7a: {  	s16 =	simm.s32 $0x8000;
	v5 =	vperm.xlane v5, v2  }
0x7b: {  	[tilespmem:s16], [sflag:$0x2] =	stream.indirect_vreg.gather [hbm4b:s6+s3], $0x80, v6, vm0, $0xb8;
	[tilespmem:$0x1A800] =	vst v63  }
0x7c: {  	s17 =	simm.s32 $0x8800;
	v5 =	vadd.s32 v1, v5  }
0x7d: {  	[tilespmem:s17], [sflag:$0x2] =	stream.indirect_vreg.gather [hbm4b:s7+s3], $0x80, v6, vm0, $0xb8;
	[tilespmem:$0x1A800] =	vst v63  }
0x7e: {  	s18 =	simm.s32 $0x9000  }
0x7f: {  	[tilespmem:s18], [sflag:$0x2] =	stream.indirect_vreg.gather [hbm4b:s8+s3], $0x80, v6, vm0, $0xb8;
	[tilespmem:$0x1A800] =	vst v63  }
0x80: {  	s19 =	simm.s32 $0x9800  }
0x81: {  	[tilespmem:s19], [sflag:$0x2] =	stream.indirect_vreg.gather [hbm4b:s1+s3], $0x80, v5, vm0, $0xb8;
	[tilespmem:$0x1A800] =	vst v63  }
0x82: {  	s5 =	simm.s32 $0xA000  }
0x83: {  	[tilespmem:s5], [sflag:$0x2] =	stream.indirect_vreg.gather [hbm4b:s6+s3], $0x80, v5, vm0, $0xb8;
	[tilespmem:$0x1A800] =	vst v63  }
0x84: {  	s10 =	simm.s32 $0xA800  }
0x85: {  	[tilespmem:s10], [sflag:$0x2] =	stream.indirect_vreg.gather [hbm4b:s7+s3], $0x80, v5, vm0, $0xb8;
	[tilespmem:$0x1A800] =	vst v63  }
0x86: {  	s11 =	simm.s32 $0xB000  }
0x87: {  	[tilespmem:s11], [sflag:$0x2] =	stream.indirect_vreg.gather [hbm4b:s8+s3], $0x80, v5, vm0, $0xb8;
	[tilespmem:$0x1A800] =	vst v63  }
0x88: {  	v5 =	vld.msk [tilespmem:$0x90], $0xff;
	_ =	sdelay $0x4  }
0x89: {  	v6 =	vshll.u32 v5, $0x3  }
0x8a: {  	v5 =	vand.u32 $0x7, v5;
	v6 =	vand.u32 $0xFFFFFFC0, v6  }
0x8b: {  	v5 =	vor.u32 v5, v6  }
0x8c: {  	v5 =	vperm.xlane v5, v0;
	_ =	sdelay $0x1  }
0x8d: {  	v5 =	vadd.s32 v1, v5;
	_ =	sdelay $0x3  }
0x8e: {  	s12 =	simm.s32 $0xB800  }
0x8f: {  	[tilespmem:s12], [sflag:$0x2] =	stream.indirect_vreg.gather [hbm4b:s1+s3], $0x80, v5, vm0, $0xb8;
	[tilespmem:$0x1A800] =	vst v63  }
0x90: {  	s13 =	simm.s32 $0xC000  }
0x91: {  	[tilespmem:s13], [sflag:$0x2] =	stream.indirect_vreg.gather [hbm4b:s6+s3], $0x80, v5, vm0, $0xb8;
	[tilespmem:$0x1A800] =	vst v63  }
0x92: {  	s15 =	simm.s32 $0xC800  }
0x93: {  	[tilespmem:s15], [sflag:$0x2] =	stream.indirect_vreg.gather [hbm4b:s7+s3], $0x80, v5, vm0, $0xb8;
	[tilespmem:$0x1A800] =	vst v63  }
0x94: {  	s16 =	simm.s32 $0xD000  }
0x95: {  	[tilespmem:s16], [sflag:$0x2] =	stream.indirect_vreg.gather [hbm4b:s8+s3], $0x80, v5, vm0, $0xb8;
	[tilespmem:$0x1A800] =	vst v63  }
0x96: {  	v5 =	vld [tilespmem:$0x98];
	_ =	sdelay $0x4  }
0x97: {  	v6 =	vshll.u32 v5, $0x3  }
0x98: {  	v5 =	vand.u32 $0x7, v5;
	v6 =	vand.u32 $0xFFFFFFC0, v6  }
0x99: {  	v5 =	vor.u32 v5, v6  }
0x9a: {  	v6 =	vperm.xlane v5, v0;
	_ =	sdelay $0x1  }
0x9b: {  	v6 =	vadd.s32 v1, v6;
	_ =	sdelay $0x3  }
0x9c: {  	s17 =	simm.s32 $0x13800  }
0x9d: {  	[tilespmem:s17], [sflag:$0x2] =	stream.indirect_vreg.gather [hbm4b:s1+s3], $0x80, v6, vm0, $0xb8;
	[tilespmem:$0x1A800] =	vst v63  }
0x9e: {  	s18 =	simm.s32 $0x14000;
	v5 =	vperm.xlane v5, v2  }
0x9f: {  	[tilespmem:s18], [sflag:$0x2] =	stream.indirect_vreg.gather [hbm4b:s6+s3], $0x80, v6, vm0, $0xb8;
	[tilespmem:$0x1A800] =	vst v63  }
0xa0: {  	s19 =	simm.s32 $0x14800;
	v5 =	vadd.s32 v1, v5  }
0xa1: {  	[tilespmem:s19], [sflag:$0x2] =	stream.indirect_vreg.gather [hbm4b:s7+s3], $0x80, v6, vm0, $0xb8;
	[tilespmem:$0x1A800] =	vst v63  }
0xa2: {  	s5 =	simm.s32 $0x15000  }
0xa3: {  	[tilespmem:s5], [sflag:$0x2] =	stream.indirect_vreg.gather [hbm4b:s8+s3], $0x80, v6, vm0, $0xb8;
	[tilespmem:$0x1A800] =	vst v63  }
0xa4: {  	s10 =	simm.s32 $0x15800  }
0xa5: {  	[tilespmem:s10], [sflag:$0x2] =	stream.indirect_vreg.gather [hbm4b:s1+s3], $0x80, v5, vm0, $0xb8;
	[tilespmem:$0x1A800] =	vst v63  }
0xa6: {  	s11 =	simm.s32 $0x16000  }
0xa7: {  	[tilespmem:s11], [sflag:$0x2] =	stream.indirect_vreg.gather [hbm4b:s6+s3], $0x80, v5, vm0, $0xb8;
	[tilespmem:$0x1A800] =	vst v63  }
0xa8: {  	s12 =	simm.s32 $0x16800  }
0xa9: {  	[tilespmem:s12], [sflag:$0x2] =	stream.indirect_vreg.gather [hbm4b:s7+s3], $0x80, v5, vm0, $0xb8;
	[tilespmem:$0x1A800] =	vst v63  }
0xaa: {  	s13 =	simm.s32 $0x17000  }
0xab: {  	[tilespmem:s13], [sflag:$0x2] =	stream.indirect_vreg.gather [hbm4b:s8+s3], $0x80, v5, vm0, $0xb8;
	[tilespmem:$0x1A800] =	vst v63  }
0xac: {  	v5 =	vld.msk [tilespmem:$0xA8], $0xff;
	_ =	sdelay $0x4  }
0xad: {  	v6 =	vshll.u32 v5, $0x3  }
0xae: {  	v5 =	vand.u32 $0x7, v5;
	v6 =	vand.u32 $0xFFFFFFC0, v6  }
0xaf: {  	v5 =	vor.u32 v5, v6  }
0xb0: {  	v5 =	vperm.xlane v5, v0;
	_ =	sdelay $0x1  }
0xb1: {  	v5 =	vadd.s32 v1, v5;
	_ =	sdelay $0x3  }
0xb2: {  	s15 =	simm.s32 $0x17800  }
0xb3: {  	[tilespmem:s15], [sflag:$0x2] =	stream.indirect_vreg.gather [hbm4b:s1+s3], $0x80, v5, vm0, $0xb8;
	[tilespmem:$0x1A800] =	vst v63  }
0xb4: {  	s16 =	simm.s32 $0x18000  }
0xb5: {  	[tilespmem:s16], [sflag:$0x2] =	stream.indirect_vreg.gather [hbm4b:s6+s3], $0x80, v5, vm0, $0xb8;
	[tilespmem:$0x1A800] =	vst v63  }
0xb6: {  	s17 =	simm.s32 $0x18800  }
0xb7: {  	[tilespmem:s17], [sflag:$0x2] =	stream.indirect_vreg.gather [hbm4b:s7+s3], $0x80, v5, vm0, $0xb8;
	[tilespmem:$0x1A800] =	vst v63  }
0xb8: {  	s18 =	simm.s32 $0x19000  }
0xb9: {  	[tilespmem:s18], [sflag:$0x2] =	stream.indirect_vreg.gather [hbm4b:s8+s3], $0x80, v5, vm0, $0xb8;
	[tilespmem:$0x1A800] =	vst v63  }
0xba: {  	v5 =	vld.msk [tilespmem:$0xB0], $0x3;
	_ =	sdelay $0x4  }
0xbb: {  	v6 =	vshll.u32 v5, $0x3  }
0xbc: {  	v5 =	vand.u32 $0x7, v5;
	v6 =	vand.u32 $0xFFFFFFC0, v6  }
0xbd: {  	v5 =	vor.u32 v5, v6  }
0xbe: {  	v5 =	vperm.xlane v5, v3;
	_ =	sdelay $0x1  }
0xbf: {  	v5 =	vadd.s32 v4, v5;
	_ =	sdelay $0x3  }
0xc0: {  	s2 =	simm.s32 $0x0;
	s19 =	simm.s32 $0x1A000  }
0xc1: {  	[tilespmem:s19], [sflag:$0x2] =	stream.indirect_vreg.gather [hbm4b:s1+s3], $0x80, v5, vm0, $0xb8;
	[tilespmem:$0x1A800] =	vst v63  }
.LBB2_2:
0xc2: {  	_ =	swait.ge [sflag:s14], $0x6000  }
0xc3: {  	[sflag:s14] =	ssyncset.done $0x0  }
0xc4: {  	[sflag:s14] =	ssyncadd.s32 $0xFFFFA000  }
0xc5: {  	_ =	swait.ge [sflag:s14], $0x6000  }
0xc6: {  	[sflag:s14] =	ssyncset.done $0x0  }
0xc7: {  	[sflag:s14] =	ssyncadd.s32 $0xFFFFA000  }
0xc8: {  	_ =	swait.ge [sflag:s14], $0x800  }
0xc9: {  	p0 =	seq.s32 s2, $0x0;
	[sflag:s14] =	ssyncset.done $0x0  }
0xca: {  	s5 =	simm.s32 @!p0 $0x3;
	[sflag:s14] =	ssyncadd.s32 $0xFFFFF800  }
0xcb: {  	s10 =	simm.s32 $0x0;
	_ =	swait.ge @!p0 [sflag:s5], $0x400  }
0xcc: {  	s12 =	simm.s32 $0x0;
	s11 =	sand.u32 $0x70, s10;
	[sflag:s5] =	ssyncset.done @!p0 $0x0  }
0xcd: {  	s13 =	simm.s32 $0x0;
	s12 =	sor.u32 s11, s12;
	[sflag:s5] =	ssyncadd.s32 @!p0 $0xFFFFFC00  }
0xce: {  	s5 =	sor.u32 s11, s13;
	v5 =	vld [tilespmem:s12+$0x19800]  }
0xcf: {  	v6 =	vld [tilespmem:s5+$0x11B00]  }
0xd0: {  	v7 =	vld [tilespmem:s5+$0x11A00]  }
0xd1: {  	v8 =	vld [tilespmem:s5+$0x11900]  }
0xd2: {  	v9 =	vld [tilespmem:s5+$0x11800]  }
0xd3: {  	v10 =	vld [tilespmem:s5+$0xFB00]  }
0xd4: {  	v11 =	vld [tilespmem:s5+$0xFA00]  }
0xd5: {  	v12 =	vld [tilespmem:s5+$0xF900]  }
0xd6: {  	v13 =	vld [tilespmem:s5+$0xF800]  }
0xd7: {  	v14 =	vld [tilespmem:s5+$0xDB00]  }
0xd8: {  	v15 =	vld [tilespmem:s5+$0xDA00]  }
0xd9: {  	v16 =	vld [tilespmem:s5+$0xD900]  }
0xda: {  	v17 =	vld [tilespmem:s5+$0xD800]  }
0xdb: {  	v18 =	vld [tilespmem:s5+$0x5B00]  }
0xdc: {  	v19 =	vld [tilespmem:s5+$0x5A00]  }
0xdd: {  	v20 =	vld [tilespmem:s5+$0x5900]  }
0xde: {  	v21 =	vld [tilespmem:s5+$0x5800]  }
0xdf: {  	v22 =	vld [tilespmem:s5+$0x3B00]  }
0xe0: {  	v23 =	vld [tilespmem:s5+$0x3A00]  }
0xe1: {  	v24 =	vld [tilespmem:s5+$0x3900]  }
0xe2: {  	v25 =	vld [tilespmem:s5+$0x3800]  }
0xe3: {  	v26 =	vld [tilespmem:s5+$0x1900]  }
0xe4: {  	v27 =	vld [tilespmem:s5+$0x1B00]  }
0xe5: {  	v28 =	vld [tilespmem:s5+$0x1980]  }
0xe6: {  	s11 =	simm.s32 $0x1;
	v29 =	vld [tilespmem:s5+$0x1A00]  }
.LBB2_3:
0xe7: {  	p1 =	sne.s32 s11, $0x3F;
	v30 =	vld [tilespmem:s5+$0x1800]  }
0xe8: {  	s13 =	sadd.s32 s13, s10;
	v31 =	vld [tilespmem:s5+$0x1880]  }
0xe9: {  	s15 =	sor.u32 $0x380, s13;
	v32 =	vld [tilespmem:s5+$0x1A80]  }
0xea: {  	v33 =	vld [tilespmem:s15+$0x1800]  }
0xeb: {  	v34 =	vld [tilespmem:s5+$0x3880]  }
0xec: {  	v35 =	vld [tilespmem:s5+$0x3980]  }
0xed: {  	s16 =	sor.u32 $0x2380, s13;
	v36 =	vld [tilespmem:s5+$0x3A80]  }
0xee: {  	v29 =	vadd.f32 v29, v30;
	v30 =	vadd.f32 v32, v31;
	v31 =	vld [tilespmem:s16+$0x1800]  }
0xef: {  	v26 =	vadd.f32 v27, v26;
	v27 =	vadd.f32 v33, v28;
	v28 =	vld [tilespmem:s5+$0x5880]  }
0xf0: {  	v25 =	vadd.f32 v25, v29;
	v29 =	vadd.f32 v34, v30;
	v30 =	vld [tilespmem:s5+$0x5980]  }
0xf1: {  	s13 =	sor.u32 $0x4380, s13;
	v24 =	vadd.f32 v24, v26;
	v26 =	vadd.f32 v35, v27;
	v27 =	vld [tilespmem:s5+$0x5A80]  }
0xf2: {  	v23 =	vadd.f32 v23, v25;
	v25 =	vadd.f32 v36, v29;
	v29 =	vld [tilespmem:s13+$0x1800]  }
0xf3: {  	v22 =	vadd.f32 v22, v24;
	v24 =	vadd.f32 v31, v26;
	v26 =	vld [tilespmem:s5+$0xD880]  }
0xf4: {  	v21 =	vadd.f32 v21, v23;
	v23 =	vadd.f32 v28, v25;
	v25 =	vld [tilespmem:s5+$0xD980]  }
0xf5: {  	v20 =	vadd.f32 v20, v22;
	v22 =	vadd.f32 v30, v24;
	v24 =	vld [tilespmem:s5+$0xDA80]  }
0xf6: {  	v19 =	vadd.f32 v19, v21;
	v21 =	vadd.f32 v27, v23;
	v23 =	vld [tilespmem:s15+$0xD800]  }
0xf7: {  	v18 =	vadd.f32 v18, v20;
	v20 =	vadd.f32 v29, v22;
	v22 =	vld [tilespmem:s5+$0xF880]  }
0xf8: {  	v17 =	vadd.f32 v17, v19;
	v19 =	vadd.f32 v26, v21;
	v21 =	vld [tilespmem:s5+$0xF980]  }
0xf9: {  	v16 =	vadd.f32 v16, v18;
	v18 =	vadd.f32 v25, v20;
	v20 =	vld [tilespmem:s5+$0xFA80]  }
0xfa: {  	v15 =	vadd.f32 v15, v17;
	v17 =	vadd.f32 v24, v19;
	v19 =	vld [tilespmem:s16+$0xD800]  }
0xfb: {  	v14 =	vadd.f32 v14, v16;
	v16 =	vadd.f32 v23, v18;
	v18 =	vld [tilespmem:s5+$0x11880]  }
0xfc: {  	v13 =	vadd.f32 v13, v15;
	v15 =	vadd.f32 v22, v17;
	v17 =	vld [tilespmem:s5+$0x11980]  }
0xfd: {  	v12 =	vadd.f32 v12, v14;
	v14 =	vadd.f32 v21, v16;
	v16 =	vld [tilespmem:s5+$0x11A80]  }
0xfe: {  	v11 =	vadd.f32 v11, v13;
	v13 =	vadd.f32 v20, v15;
	v15 =	vld [tilespmem:s13+$0xD800]  }
0xff: {  	v10 =	vadd.f32 v10, v12;
	v12 =	vadd.f32 v19, v14;
	v14 =	vld [tilespmem:s12+$0x19880]  }
0x100: {  	v9 =	vadd.f32 v9, v11;
	v11 =	vadd.f32 v18, v13  }
0x101: {  	v8 =	vadd.f32 v8, v10;
	v10 =	vadd.f32 v17, v12  }
0x102: {  	v7 =	vadd.f32 v7, v9;
	v9 =	vadd.f32 v16, v11  }
0x103: {  	v6 =	vadd.f32 v6, v8;
	v8 =	vadd.f32 v15, v10  }
0x104: {  	v5 =	vadd.f32 v5, v7;
	v7 =	vadd.f32 v14, v9;
	_ =	sdelay $0x1  }
0x105: {  	v6 =	vadd.f32 v8, v6;
	v5 =	vadd.f32 v7, v5  }
0x106: {  	s10 =	sadd.s32 $0x10, s10;
	s5 =	sshrl.u32 s11, $0x3  }
0x107: {  	s15 =	sand.u32 $0x70, s10;
	s16 =	sshll.u32 s5, $0x8;
	v6 =	vadd.f32 v5, v6  }
0x108: {  	s13 =	sshll.u32 s5, $0xA;
	s16 =	sor.u32 s15, s16  }
0x109: {  	s5 =	sor.u32 s15, s13;
	v5 =	vld [tilespmem:s16+$0x19800];
	[tilespmem:s12+$0x1000] =	vst v6;
	s12 =	smov.u32 s16  }
0x10a: {  	v6 =	vld [tilespmem:s5+$0x11B00]  }
0x10b: {  	v7 =	vld [tilespmem:s5+$0x11A00]  }
0x10c: {  	v8 =	vld [tilespmem:s5+$0x11900]  }
0x10d: {  	v9 =	vld [tilespmem:s5+$0x11800]  }
0x10e: {  	v10 =	vld [tilespmem:s5+$0xFB00]  }
0x10f: {  	v11 =	vld [tilespmem:s5+$0xFA00]  }
0x110: {  	v12 =	vld [tilespmem:s5+$0xF900]  }
0x111: {  	v13 =	vld [tilespmem:s5+$0xF800]  }
0x112: {  	v14 =	vld [tilespmem:s5+$0xDB00]  }
0x113: {  	v15 =	vld [tilespmem:s5+$0xDA00]  }
0x114: {  	v16 =	vld [tilespmem:s5+$0xD900]  }
0x115: {  	v17 =	vld [tilespmem:s5+$0xD800]  }
0x116: {  	v18 =	vld [tilespmem:s5+$0x5B00]  }
0x117: {  	v19 =	vld [tilespmem:s5+$0x5A00]  }
0x118: {  	v20 =	vld [tilespmem:s5+$0x5900]  }
0x119: {  	v21 =	vld [tilespmem:s5+$0x5800]  }
0x11a: {  	v22 =	vld [tilespmem:s5+$0x3B00]  }
0x11b: {  	v23 =	vld [tilespmem:s5+$0x3A00]  }
0x11c: {  	v24 =	vld [tilespmem:s5+$0x3900]  }
.Ltmp2:
0x11d: {  	v25 =	vld [tilespmem:s5+$0x3800];
	(pc) =	sbr.rel @p1 .LBB2_3-.Ltmp2, $4  }
0x11e: {  	v26 =	vld [tilespmem:s5+$0x1900]  }
0x11f: {  	v27 =	vld [tilespmem:s5+$0x1B00]  }
0x120: {  	v28 =	vld [tilespmem:s5+$0x1980]  }
0x121: {  	s11 =	sadd.s32 $0x1, s11;
	v29 =	vld [tilespmem:s5+$0x1A00]  }
0x122: {  	v30 =	vld [tilespmem:s5+$0x1800]  }
0x123: {  	s10 =	sadd.s32 s13, s10;
	v31 =	vld [tilespmem:s5+$0x1880]  }
0x124: {  	v32 =	vld [tilespmem:s5+$0x1A80];
	s11 =	sor.u32 $0x380, s10  }
0x125: {  	v33 =	vld [tilespmem:s11+$0x1800]  }
0x126: {  	v34 =	vld [tilespmem:s5+$0x3880]  }
0x127: {  	v35 =	vld [tilespmem:s5+$0x3980]  }
0x128: {  	v36 =	vld [tilespmem:s5+$0x3A80];
	s13 =	sor.u32 $0x2380, s10  }
0x129: {  	v57 =	vld [tilespmem:s13+$0x1800];
	v29 =	vadd.f32 v29, v30;
	v56 =	vadd.f32 v32, v31  }
0x12a: {  	v59 =	vld [tilespmem:s5+$0x5880];
	v26 =	vadd.f32 v27, v26;
	v58 =	vadd.f32 v33, v28  }
0x12b: {  	v61 =	vld [tilespmem:s5+$0x5980];
	v25 =	vadd.f32 v25, v29;
	v60 =	vadd.f32 v34, v56  }
0x12c: {  	v63 =	vld [tilespmem:s5+$0x5A80];
	s10 =	sor.u32 $0x4380, s10;
	v24 =	vadd.f32 v24, v26;
	v62 =	vadd.f32 v35, v58  }
0x12d: {  	v33 =	vld [tilespmem:s10+$0x1800];
	v23 =	vadd.f32 v23, v25;
	v32 =	vadd.f32 v36, v60  }
0x12e: {  	v22 =	vadd.f32 v22, v24;
	v35 =	vld [tilespmem:s5+$0xD880];
	v34 =	vadd.f32 v57, v62  }
0x12f: {  	v37 =	vld [tilespmem:s5+$0xD980];
	v21 =	vadd.f32 v21, v23;
	v36 =	vadd.f32 v59, v32  }
0x130: {  	v39 =	vld [tilespmem:s5+$0xDA80];
	v20 =	vadd.f32 v20, v22;
	v38 =	vadd.f32 v61, v34  }
0x131: {  	v41 =	vld [tilespmem:s11+$0xD800];
	v19 =	vadd.f32 v19, v21;
	v40 =	vadd.f32 v63, v36  }
0x132: {  	v43 =	vld [tilespmem:s5+$0xF880];
	v18 =	vadd.f32 v18, v20;
	v42 =	vadd.f32 v33, v38  }
0x133: {  	v45 =	vld [tilespmem:s5+$0xF980];
	v17 =	vadd.f32 v17, v19;
	v44 =	vadd.f32 v35, v40  }
0x134: {  	v47 =	vld [tilespmem:s5+$0xFA80];
	v16 =	vadd.f32 v16, v18;
	v46 =	vadd.f32 v37, v42  }
0x135: {  	v49 =	vld [tilespmem:s13+$0xD800];
	v15 =	vadd.f32 v15, v17;
	v48 =	vadd.f32 v39, v44  }
0x136: {  	v51 =	vld [tilespmem:s5+$0x11880];
	v14 =	vadd.f32 v14, v16;
	v50 =	vadd.f32 v41, v46  }
0x137: {  	v53 =	vld [tilespmem:s5+$0x11980];
	v13 =	vadd.f32 v13, v15;
	v52 =	vadd.f32 v43, v48  }
0x138: {  	v55 =	vld [tilespmem:s5+$0x11A80];
	v12 =	vadd.f32 v12, v14;
	v54 =	vadd.f32 v45, v50  }
0x139: {  	v57 =	vld [tilespmem:s10+$0xD800];
	v11 =	vadd.f32 v11, v13;
	v56 =	vadd.f32 v47, v52  }
0x13a: {  	v59 =	vld [tilespmem:s12+$0x19880];
	v10 =	vadd.f32 v10, v12;
	v58 =	vadd.f32 v49, v54  }
0x13b: {  	v9 =	vadd.f32 v9, v11;
	v60 =	vadd.f32 v51, v56  }
0x13c: {  	v8 =	vadd.f32 v8, v10;
	v61 =	vadd.f32 v53, v58  }
0x13d: {  	v7 =	vadd.f32 v7, v9;
	v62 =	vadd.f32 v55, v60  }
0x13e: {  	v6 =	vadd.f32 v6, v8;
	v63 =	vadd.f32 v57, v61  }
0x13f: {  	v5 =	vadd.f32 v5, v7;
	v7 =	vadd.f32 v59, v62;
	_ =	sdelay $0x1  }
0x140: {  	v5 =	vadd.f32 v7, v5;
	v6 =	vadd.f32 v63, v6  }
0x141: {  	s15 =	sshll.u32 s2, $0x5;
	s5 =	sshll.u32 s2, $0x8  }
0x142: {  	s11 =	sand.u32 $0x60, s15;
	s16 =	sand.u32 $0xC00, s5;
	v5 =	vadd.f32 v5, v6  }
0x143: {  	s17 =	sadd.s32 s4, s11;
	s10 =	sor.u32 s9, s16  }
0x144: {  	s18 =	simm.s32 $0x1000;
	[tilespmem:s12+$0x1000] =	vst v5;
	s12 =	sadd.s32 s10, s17  }
0x145: {  	[hbm4b:s12+s3] =	stream.linear.scatter [tilespmem:s18], [sflag:$0x3], $0x80, $0x38;
	[tilespmem:$0x1A800] =	vst v63  }
0x146: {  	s15 =	simm.s32 $0x1100;
	s19 =	sadd.s32 $0x80, s12  }
0x147: {  	[hbm4b:s19+s3] =	stream.linear.scatter [tilespmem:s15], [sflag:$0x3], $0x80, $0x38;
	[tilespmem:$0x1A800] =	vst v63  }
0x148: {  	s17 =	simm.s32 $0x1200;
	s16 =	sadd.s32 $0x100, s12  }
0x149: {  	[hbm4b:s16+s3] =	stream.linear.scatter [tilespmem:s17], [sflag:$0x3], $0x80, $0x38;
	[tilespmem:$0x1A800] =	vst v63  }
0x14a: {  	s18 =	sadd.s32 $0x180, s12;
	s19 =	simm.s32 $0x1300  }
0x14b: {  	[hbm4b:s18+s3] =	stream.linear.scatter [tilespmem:s19], [sflag:$0x3], $0x80, $0x38;
	[tilespmem:$0x1A800] =	vst v63  }
0x14c: {  	s16 =	sadd.s32 $0x200, s12;
	s17 =	simm.s32 $0x1400  }
0x14d: {  	[hbm4b:s16+s3] =	stream.linear.scatter [tilespmem:s17], [sflag:$0x3], $0x80, $0x38;
	[tilespmem:$0x1A800] =	vst v63  }
0x14e: {  	p1 =	seq.s32 s2, $0xF;
	s18 =	sadd.s32 $0x280, s12  }
0x14f: {  	[hbm4b:s18+s3] =	stream.linear.scatter [tilespmem:s20], [sflag:$0x3], $0x80, $0x38;
	[tilespmem:$0x1A800] =	vst v63  }
.Ltmp3:
0x150: {  	_ = 	snop;
	(pc) =	sbr.rel @p1 .LBB2_6-.Ltmp3, $4  }
0x151: {  	s19 =	sadd.s32 $0x300, s12  }
0x152: {  	[hbm4b:s19+s3] =	stream.linear.scatter [tilespmem:s21], [sflag:$0x3], $0x80, $0x38;
	[tilespmem:$0x1A800] =	vst v63  }
0x153: {  	s12 =	sadd.s32 $0x380, s12  }
0x154: {  	[hbm4b:s12+s3] =	stream.linear.scatter [tilespmem:s22], [sflag:$0x3], $0x80, $0x38;
	[tilespmem:$0x1A800] =	vst v63  }
0x155: {  	s12 =	sand.u32 $0x3FFFFF00, s5  }
0x156: {  	v5 =	vld [tilespmem:s12+$0x100];
	_ =	sdelay $0x4  }
0x157: {  	v6 =	vshll.u32 v5, $0x3  }
0x158: {  	v5 =	vand.u32 $0x7, v5;
	v6 =	vand.u32 $0xFFFFFFC0, v6  }
0x159: {  	v5 =	vor.u32 v5, v6  }
0x15a: {  	v6 =	vperm.xlane v5, v0;
	_ =	sdelay $0x1  }
0x15b: {  	v6 =	vadd.s32 v1, v6;
	_ =	sdelay $0x3  }
0x15c: {  	s13 =	simm.s32 $0x1800  }
0x15d: {  	[tilespmem:s13], [sflag:$0x1] =	stream.indirect_vreg.gather [hbm4b:s1+s3], $0x80, v6, vm0, $0xb8;
	[tilespmem:$0x1A800] =	vst v63  }
0x15e: {  	s16 =	simm.s32 $0x2000;
	v5 =	vperm.xlane v5, v2  }
0x15f: {  	[tilespmem:s16], [sflag:$0x1] =	stream.indirect_vreg.gather [hbm4b:s6+s3], $0x80, v6, vm0, $0xb8;
	[tilespmem:$0x1A800] =	vst v63  }
0x160: {  	s17 =	simm.s32 $0x2800;
	v5 =	vadd.s32 v1, v5  }
0x161: {  	[tilespmem:s17], [sflag:$0x1] =	stream.indirect_vreg.gather [hbm4b:s7+s3], $0x80, v6, vm0, $0xb8;
	[tilespmem:$0x1A800] =	vst v63  }
0x162: {  	s18 =	simm.s32 $0x3000  }
0x163: {  	[tilespmem:s18], [sflag:$0x1] =	stream.indirect_vreg.gather [hbm4b:s8+s3], $0x80, v6, vm0, $0xb8;
	[tilespmem:$0x1A800] =	vst v63  }
0x164: {  	s19 =	simm.s32 $0x3800  }
0x165: {  	[tilespmem:s19], [sflag:$0x1] =	stream.indirect_vreg.gather [hbm4b:s1+s3], $0x80, v5, vm0, $0xb8;
	[tilespmem:$0x1A800] =	vst v63  }
0x166: {  	s15 =	simm.s32 $0x4000  }
0x167: {  	[tilespmem:s15], [sflag:$0x1] =	stream.indirect_vreg.gather [hbm4b:s6+s3], $0x80, v5, vm0, $0xb8;
	[tilespmem:$0x1A800] =	vst v63  }
0x168: {  	s16 =	simm.s32 $0x4800  }
0x169: {  	[tilespmem:s16], [sflag:$0x1] =	stream.indirect_vreg.gather [hbm4b:s7+s3], $0x80, v5, vm0, $0xb8;
	[tilespmem:$0x1A800] =	vst v63  }
0x16a: {  	s17 =	simm.s32 $0x5000  }
0x16b: {  	[tilespmem:s17], [sflag:$0x1] =	stream.indirect_vreg.gather [hbm4b:s8+s3], $0x80, v5, vm0, $0xb8;
	[tilespmem:$0x1A800] =	vst v63  }
0x16c: {  	v5 =	vld.msk [tilespmem:s12+$0x110], $0xff;
	_ =	sdelay $0x4  }
0x16d: {  	v6 =	vshll.u32 v5, $0x3  }
0x16e: {  	v5 =	vand.u32 $0x7, v5;
	v6 =	vand.u32 $0xFFFFFFC0, v6  }
0x16f: {  	v5 =	vor.u32 v5, v6  }
0x170: {  	v5 =	vperm.xlane v5, v0;
	_ =	sdelay $0x1  }
0x171: {  	v5 =	vadd.s32 v1, v5;
	_ =	sdelay $0x3  }
0x172: {  	s18 =	simm.s32 $0x5800  }
0x173: {  	[tilespmem:s18], [sflag:$0x1] =	stream.indirect_vreg.gather [hbm4b:s1+s3], $0x80, v5, vm0, $0xb8;
	[tilespmem:$0x1A800] =	vst v63  }
0x174: {  	s19 =	simm.s32 $0x6000  }
0x175: {  	[tilespmem:s19], [sflag:$0x1] =	stream.indirect_vreg.gather [hbm4b:s6+s3], $0x80, v5, vm0, $0xb8;
	[tilespmem:$0x1A800] =	vst v63  }
0x176: {  	s15 =	simm.s32 $0x6800  }
0x177: {  	[tilespmem:s15], [sflag:$0x1] =	stream.indirect_vreg.gather [hbm4b:s7+s3], $0x80, v5, vm0, $0xb8;
	[tilespmem:$0x1A800] =	vst v63  }
0x178: {  	s16 =	simm.s32 $0x7000  }
0x179: {  	[tilespmem:s16], [sflag:$0x1] =	stream.indirect_vreg.gather [hbm4b:s8+s3], $0x80, v5, vm0, $0xb8;
	[tilespmem:$0x1A800] =	vst v63  }
0x17a: {  	v5 =	vld [tilespmem:s12+$0x118];
	_ =	sdelay $0x4  }
0x17b: {  	v6 =	vshll.u32 v5, $0x3  }
0x17c: {  	v5 =	vand.u32 $0x7, v5;
	v6 =	vand.u32 $0xFFFFFFC0, v6  }
0x17d: {  	v5 =	vor.u32 v5, v6  }
0x17e: {  	v6 =	vperm.xlane v5, v0;
	_ =	sdelay $0x1  }
0x17f: {  	v6 =	vadd.s32 v1, v6;
	_ =	sdelay $0x3  }
0x180: {  	s17 =	simm.s32 $0xD800  }
0x181: {  	[tilespmem:s17], [sflag:$0x1] =	stream.indirect_vreg.gather [hbm4b:s1+s3], $0x80, v6, vm0, $0xb8;
	[tilespmem:$0x1A800] =	vst v63  }
0x182: {  	s18 =	simm.s32 $0xE000;
	v5 =	vperm.xlane v5, v2  }
0x183: {  	[tilespmem:s18], [sflag:$0x1] =	stream.indirect_vreg.gather [hbm4b:s6+s3], $0x80, v6, vm0, $0xb8;
	[tilespmem:$0x1A800] =	vst v63  }
0x184: {  	s19 =	simm.s32 $0xE800;
	v5 =	vadd.s32 v1, v5  }
0x185: {  	[tilespmem:s19], [sflag:$0x1] =	stream.indirect_vreg.gather [hbm4b:s7+s3], $0x80, v6, vm0, $0xb8;
	[tilespmem:$0x1A800] =	vst v63  }
0x186: {  	s15 =	simm.s32 $0xF000  }
0x187: {  	[tilespmem:s15], [sflag:$0x1] =	stream.indirect_vreg.gather [hbm4b:s8+s3], $0x80, v6, vm0, $0xb8;
	[tilespmem:$0x1A800] =	vst v63  }
0x188: {  	s16 =	simm.s32 $0xF800  }
0x189: {  	[tilespmem:s16], [sflag:$0x1] =	stream.indirect_vreg.gather [hbm4b:s1+s3], $0x80, v5, vm0, $0xb8;
	[tilespmem:$0x1A800] =	vst v63  }
0x18a: {  	s17 =	simm.s32 $0x10000  }
0x18b: {  	[tilespmem:s17], [sflag:$0x1] =	stream.indirect_vreg.gather [hbm4b:s6+s3], $0x80, v5, vm0, $0xb8;
	[tilespmem:$0x1A800] =	vst v63  }
0x18c: {  	s18 =	simm.s32 $0x10800  }
0x18d: {  	[tilespmem:s18], [sflag:$0x1] =	stream.indirect_vreg.gather [hbm4b:s7+s3], $0x80, v5, vm0, $0xb8;
	[tilespmem:$0x1A800] =	vst v63  }
0x18e: {  	s19 =	simm.s32 $0x11000  }
0x18f: {  	[tilespmem:s19], [sflag:$0x1] =	stream.indirect_vreg.gather [hbm4b:s8+s3], $0x80, v5, vm0, $0xb8;
	[tilespmem:$0x1A800] =	vst v63  }
0x190: {  	v5 =	vld.msk [tilespmem:s12+$0x128], $0xff;
	_ =	sdelay $0x4  }
0x191: {  	v6 =	vshll.u32 v5, $0x3  }
0x192: {  	v5 =	vand.u32 $0x7, v5;
	v6 =	vand.u32 $0xFFFFFFC0, v6  }
0x193: {  	v5 =	vor.u32 v5, v6  }
0x194: {  	v5 =	vperm.xlane v5, v0;
	_ =	sdelay $0x1  }
0x195: {  	v5 =	vadd.s32 v1, v5;
	_ =	sdelay $0x3  }
0x196: {  	s15 =	simm.s32 $0x11800  }
0x197: {  	[tilespmem:s15], [sflag:$0x1] =	stream.indirect_vreg.gather [hbm4b:s1+s3], $0x80, v5, vm0, $0xb8;
	[tilespmem:$0x1A800] =	vst v63  }
0x198: {  	s16 =	simm.s32 $0x12000  }
0x199: {  	[tilespmem:s16], [sflag:$0x1] =	stream.indirect_vreg.gather [hbm4b:s6+s3], $0x80, v5, vm0, $0xb8;
	[tilespmem:$0x1A800] =	vst v63  }
0x19a: {  	s17 =	simm.s32 $0x12800  }
0x19b: {  	[tilespmem:s17], [sflag:$0x1] =	stream.indirect_vreg.gather [hbm4b:s7+s3], $0x80, v5, vm0, $0xb8;
	[tilespmem:$0x1A800] =	vst v63  }
0x19c: {  	s18 =	simm.s32 $0x13000  }
0x19d: {  	[tilespmem:s18], [sflag:$0x1] =	stream.indirect_vreg.gather [hbm4b:s8+s3], $0x80, v5, vm0, $0xb8;
	[tilespmem:$0x1A800] =	vst v63  }
0x19e: {  	v5 =	vld.msk [tilespmem:s12+$0x130], $0x3;
	_ =	sdelay $0x4  }
0x19f: {  	v6 =	vshll.u32 v5, $0x3  }
0x1a0: {  	v5 =	vand.u32 $0x7, v5;
	v6 =	vand.u32 $0xFFFFFFC0, v6  }
0x1a1: {  	v5 =	vor.u32 v5, v6  }
0x1a2: {  	v5 =	vperm.xlane v5, v3;
	_ =	sdelay $0x1  }
0x1a3: {  	v5 =	vadd.s32 v4, v5;
	_ =	sdelay $0x3  }
0x1a4: {  	s19 =	simm.s32 $0x19800  }
0x1a5: {  	[tilespmem:s19], [sflag:$0x1] =	stream.indirect_vreg.gather [hbm4b:s1+s3], $0x80, v5, vm0, $0xb8;
	[tilespmem:$0x1A800] =	vst v63  }
.LBB2_6:
0x1a6: {  	_ =	swait.ge [sflag:s23], $0x6000  }
0x1a7: {  	[sflag:s23] =	ssyncset.done $0x0  }
0x1a8: {  	[sflag:s23] =	ssyncadd.s32 $0xFFFFA000  }
0x1a9: {  	_ =	swait.ge [sflag:s23], $0x6000  }
0x1aa: {  	[sflag:s23] =	ssyncset.done $0x0  }
0x1ab: {  	[sflag:s23] =	ssyncadd.s32 $0xFFFFA000  }
0x1ac: {  	_ =	swait.ge [sflag:s23], $0x800  }
0x1ad: {  	[sflag:s23] =	ssyncset.done $0x0  }
0x1ae: {  	s12 =	simm.s32 @!p0 $0x4;
	[sflag:s23] =	ssyncadd.s32 $0xFFFFF800  }
0x1af: {  	s15 =	simm.s32 $0x0;
	_ =	swait.ge @!p0 [sflag:s12], $0x400  }
0x1b0: {  	s16 =	simm.s32 $0x0;
	s13 =	sand.u32 $0x70, s15;
	[sflag:s12] =	ssyncset.done @!p0 $0x0  }
0x1b1: {  	s17 =	simm.s32 $0x0;
	[sflag:s12] =	ssyncadd.s32 @!p0 $0xFFFFFC00;
	s12 =	sor.u32 s13, s16  }
0x1b2: {  	s13 =	sor.u32 s13, s17;
	v5 =	vld [tilespmem:s12+$0x1A000]  }
0x1b3: {  	v6 =	vld [tilespmem:s13+$0x17B00]  }
0x1b4: {  	v7 =	vld [tilespmem:s13+$0x17A00]  }
0x1b5: {  	v8 =	vld [tilespmem:s13+$0x17900]  }
0x1b6: {  	v9 =	vld [tilespmem:s13+$0x17800]  }
0x1b7: {  	v10 =	vld [tilespmem:s13+$0x15B00]  }
0x1b8: {  	v11 =	vld [tilespmem:s13+$0x15A00]  }
0x1b9: {  	v12 =	vld [tilespmem:s13+$0x15900]  }
0x1ba: {  	v13 =	vld [tilespmem:s13+$0x15800]  }
0x1bb: {  	v14 =	vld [tilespmem:s13+$0x13B00]  }
0x1bc: {  	v15 =	vld [tilespmem:s13+$0x13A00]  }
0x1bd: {  	v16 =	vld [tilespmem:s13+$0x13900]  }
0x1be: {  	v17 =	vld [tilespmem:s13+$0x13800]  }
0x1bf: {  	v18 =	vld [tilespmem:s13+$0xBB00]  }
0x1c0: {  	v19 =	vld [tilespmem:s13+$0xBA00]  }
0x1c1: {  	v20 =	vld [tilespmem:s13+$0xB900]  }
0x1c2: {  	v21 =	vld [tilespmem:s13+$0xB800]  }
0x1c3: {  	v22 =	vld [tilespmem:s13+$0x9B00]  }
0x1c4: {  	v23 =	vld [tilespmem:s13+$0x9A00]  }
0x1c5: {  	v24 =	vld [tilespmem:s13+$0x9900]  }
0x1c6: {  	v25 =	vld [tilespmem:s13+$0x9800]  }
0x1c7: {  	v26 =	vld [tilespmem:s13+$0x7900]  }
0x1c8: {  	v27 =	vld [tilespmem:s13+$0x7B00]  }
0x1c9: {  	v28 =	vld [tilespmem:s13+$0x7980]  }
0x1ca: {  	s16 =	simm.s32 $0x1;
	v29 =	vld [tilespmem:s13+$0x7A00]  }
.LBB2_7:
0x1cb: {  	p0 =	sne.s32 s16, $0x3F;
	v30 =	vld [tilespmem:s13+$0x7800]  }
0x1cc: {  	s17 =	sadd.s32 s17, s15;
	v31 =	vld [tilespmem:s13+$0x7880]  }
0x1cd: {  	s18 =	sor.u32 $0x380, s17;
	v32 =	vld [tilespmem:s13+$0x7A80]  }
0x1ce: {  	v33 =	vld [tilespmem:s18+$0x7800]  }
0x1cf: {  	v34 =	vld [tilespmem:s13+$0x9880]  }
0x1d0: {  	v35 =	vld [tilespmem:s13+$0x9980]  }
0x1d1: {  	s19 =	sor.u32 $0x2380, s17;
	v36 =	vld [tilespmem:s13+$0x9A80]  }
0x1d2: {  	v29 =	vadd.f32 v29, v30;
	v30 =	vadd.f32 v32, v31;
	v31 =	vld [tilespmem:s19+$0x7800]  }
0x1d3: {  	v26 =	vadd.f32 v27, v26;
	v27 =	vadd.f32 v33, v28;
	v28 =	vld [tilespmem:s13+$0xB880]  }
0x1d4: {  	v25 =	vadd.f32 v25, v29;
	v29 =	vadd.f32 v34, v30;
	v30 =	vld [tilespmem:s13+$0xB980]  }
0x1d5: {  	s17 =	sor.u32 $0x4380, s17;
	v24 =	vadd.f32 v24, v26;
	v26 =	vadd.f32 v35, v27;
	v27 =	vld [tilespmem:s13+$0xBA80]  }
0x1d6: {  	v23 =	vadd.f32 v23, v25;
	v25 =	vadd.f32 v36, v29;
	v29 =	vld [tilespmem:s17+$0x7800]  }
0x1d7: {  	v22 =	vadd.f32 v22, v24;
	v24 =	vadd.f32 v31, v26;
	v26 =	vld [tilespmem:s13+$0x13880]  }
0x1d8: {  	v21 =	vadd.f32 v21, v23;
	v23 =	vadd.f32 v28, v25;
	v25 =	vld [tilespmem:s13+$0x13980]  }
0x1d9: {  	v20 =	vadd.f32 v20, v22;
	v22 =	vadd.f32 v30, v24;
	v24 =	vld [tilespmem:s13+$0x13A80]  }
0x1da: {  	v19 =	vadd.f32 v19, v21;
	v21 =	vadd.f32 v27, v23;
	v23 =	vld [tilespmem:s18+$0x13800]  }
0x1db: {  	v18 =	vadd.f32 v18, v20;
	v20 =	vadd.f32 v29, v22;
	v22 =	vld [tilespmem:s13+$0x15880]  }
0x1dc: {  	v17 =	vadd.f32 v17, v19;
	v19 =	vadd.f32 v26, v21;
	v21 =	vld [tilespmem:s13+$0x15980]  }
0x1dd: {  	v16 =	vadd.f32 v16, v18;
	v18 =	vadd.f32 v25, v20;
	v20 =	vld [tilespmem:s13+$0x15A80]  }
0x1de: {  	v15 =	vadd.f32 v15, v17;
	v17 =	vadd.f32 v24, v19;
	v19 =	vld [tilespmem:s19+$0x13800]  }
0x1df: {  	v14 =	vadd.f32 v14, v16;
	v16 =	vadd.f32 v23, v18;
	v18 =	vld [tilespmem:s13+$0x17880]  }
0x1e0: {  	v13 =	vadd.f32 v13, v15;
	v15 =	vadd.f32 v22, v17;
	v17 =	vld [tilespmem:s13+$0x17980]  }
0x1e1: {  	v12 =	vadd.f32 v12, v14;
	v14 =	vadd.f32 v21, v16;
	v16 =	vld [tilespmem:s13+$0x17A80]  }
0x1e2: {  	v11 =	vadd.f32 v11, v13;
	v13 =	vadd.f32 v20, v15;
	v15 =	vld [tilespmem:s17+$0x13800]  }
0x1e3: {  	v10 =	vadd.f32 v10, v12;
	v12 =	vadd.f32 v19, v14;
	v14 =	vld [tilespmem:s12+$0x1A080]  }
0x1e4: {  	v9 =	vadd.f32 v9, v11;
	v11 =	vadd.f32 v18, v13  }
0x1e5: {  	v8 =	vadd.f32 v8, v10;
	v10 =	vadd.f32 v17, v12  }
0x1e6: {  	v7 =	vadd.f32 v7, v9;
	v9 =	vadd.f32 v16, v11  }
0x1e7: {  	v6 =	vadd.f32 v6, v8;
	v8 =	vadd.f32 v15, v10  }
0x1e8: {  	v5 =	vadd.f32 v5, v7;
	v7 =	vadd.f32 v14, v9;
	_ =	sdelay $0x1  }
0x1e9: {  	v6 =	vadd.f32 v8, v6;
	v5 =	vadd.f32 v7, v5  }
0x1ea: {  	s15 =	sadd.s32 $0x10, s15;
	s13 =	sshrl.u32 s16, $0x3  }
0x1eb: {  	s18 =	sand.u32 $0x70, s15;
	s19 =	sshll.u32 s13, $0x8;
	v6 =	vadd.f32 v5, v6  }
0x1ec: {  	s17 =	sshll.u32 s13, $0xA;
	s19 =	sor.u32 s18, s19  }
0x1ed: {  	s13 =	sor.u32 s18, s17;
	v5 =	vld [tilespmem:s19+$0x1A000];
	[tilespmem:s12+$0x1080] =	vst v6;
	s12 =	smov.u32 s19  }
0x1ee: {  	v6 =	vld [tilespmem:s13+$0x17B00]  }
0x1ef: {  	v7 =	vld [tilespmem:s13+$0x17A00]  }
0x1f0: {  	v8 =	vld [tilespmem:s13+$0x17900]  }
0x1f1: {  	v9 =	vld [tilespmem:s13+$0x17800]  }
0x1f2: {  	v10 =	vld [tilespmem:s13+$0x15B00]  }
0x1f3: {  	v11 =	vld [tilespmem:s13+$0x15A00]  }
0x1f4: {  	v12 =	vld [tilespmem:s13+$0x15900]  }
0x1f5: {  	v13 =	vld [tilespmem:s13+$0x15800]  }
0x1f6: {  	v14 =	vld [tilespmem:s13+$0x13B00]  }
0x1f7: {  	v15 =	vld [tilespmem:s13+$0x13A00]  }
0x1f8: {  	v16 =	vld [tilespmem:s13+$0x13900]  }
0x1f9: {  	v17 =	vld [tilespmem:s13+$0x13800]  }
0x1fa: {  	v18 =	vld [tilespmem:s13+$0xBB00]  }
0x1fb: {  	v19 =	vld [tilespmem:s13+$0xBA00]  }
0x1fc: {  	v20 =	vld [tilespmem:s13+$0xB900]  }
0x1fd: {  	v21 =	vld [tilespmem:s13+$0xB800]  }
0x1fe: {  	v22 =	vld [tilespmem:s13+$0x9B00]  }
0x1ff: {  	v23 =	vld [tilespmem:s13+$0x9A00]  }
0x200: {  	v24 =	vld [tilespmem:s13+$0x9900]  }
.Ltmp4:
0x201: {  	v25 =	vld [tilespmem:s13+$0x9800];
	(pc) =	sbr.rel @p0 .LBB2_7-.Ltmp4, $4  }
0x202: {  	v26 =	vld [tilespmem:s13+$0x7900]  }
0x203: {  	v27 =	vld [tilespmem:s13+$0x7B00]  }
0x204: {  	v28 =	vld [tilespmem:s13+$0x7980]  }
0x205: {  	s16 =	sadd.s32 $0x1, s16;
	v29 =	vld [tilespmem:s13+$0x7A00]  }
0x206: {  	v30 =	vld [tilespmem:s13+$0x7800]  }
0x207: {  	s15 =	sadd.s32 s17, s15;
	v31 =	vld [tilespmem:s13+$0x7880]  }
0x208: {  	v32 =	vld [tilespmem:s13+$0x7A80];
	s16 =	sor.u32 $0x380, s15  }
0x209: {  	v33 =	vld [tilespmem:s16+$0x7800]  }
0x20a: {  	v34 =	vld [tilespmem:s13+$0x9880]  }
0x20b: {  	v35 =	vld [tilespmem:s13+$0x9980]  }
0x20c: {  	v36 =	vld [tilespmem:s13+$0x9A80];
	s17 =	sor.u32 $0x2380, s15  }
0x20d: {  	v57 =	vld [tilespmem:s17+$0x7800];
	v29 =	vadd.f32 v29, v30;
	v56 =	vadd.f32 v32, v31  }
0x20e: {  	v59 =	vld [tilespmem:s13+$0xB880];
	v26 =	vadd.f32 v27, v26;
	v58 =	vadd.f32 v33, v28  }
0x20f: {  	v61 =	vld [tilespmem:s13+$0xB980];
	v25 =	vadd.f32 v25, v29;
	v60 =	vadd.f32 v34, v56  }
0x210: {  	v63 =	vld [tilespmem:s13+$0xBA80];
	s15 =	sor.u32 $0x4380, s15;
	v24 =	vadd.f32 v24, v26;
	v62 =	vadd.f32 v35, v58  }
0x211: {  	v33 =	vld [tilespmem:s15+$0x7800];
	v23 =	vadd.f32 v23, v25;
	v32 =	vadd.f32 v36, v60  }
0x212: {  	v22 =	vadd.f32 v22, v24;
	v35 =	vld [tilespmem:s13+$0x13880];
	v34 =	vadd.f32 v57, v62  }
0x213: {  	v37 =	vld [tilespmem:s13+$0x13980];
	v21 =	vadd.f32 v21, v23;
	v36 =	vadd.f32 v59, v32  }
0x214: {  	v39 =	vld [tilespmem:s13+$0x13A80];
	v20 =	vadd.f32 v20, v22;
	v38 =	vadd.f32 v61, v34  }
0x215: {  	v41 =	vld [tilespmem:s16+$0x13800];
	v19 =	vadd.f32 v19, v21;
	v40 =	vadd.f32 v63, v36  }
0x216: {  	v43 =	vld [tilespmem:s13+$0x15880];
	v18 =	vadd.f32 v18, v20;
	v42 =	vadd.f32 v33, v38  }
0x217: {  	v45 =	vld [tilespmem:s13+$0x15980];
	v17 =	vadd.f32 v17, v19;
	v44 =	vadd.f32 v35, v40  }
0x218: {  	v47 =	vld [tilespmem:s13+$0x15A80];
	v16 =	vadd.f32 v16, v18;
	v46 =	vadd.f32 v37, v42  }
0x219: {  	v49 =	vld [tilespmem:s17+$0x13800];
	v15 =	vadd.f32 v15, v17;
	v48 =	vadd.f32 v39, v44  }
0x21a: {  	v51 =	vld [tilespmem:s13+$0x17880];
	v14 =	vadd.f32 v14, v16;
	v50 =	vadd.f32 v41, v46  }
0x21b: {  	v53 =	vld [tilespmem:s13+$0x17980];
	v13 =	vadd.f32 v13, v15;
	v52 =	vadd.f32 v43, v48  }
0x21c: {  	v55 =	vld [tilespmem:s13+$0x17A80];
	v12 =	vadd.f32 v12, v14;
	v54 =	vadd.f32 v45, v50  }
0x21d: {  	v57 =	vld [tilespmem:s15+$0x13800];
	v11 =	vadd.f32 v11, v13;
	v56 =	vadd.f32 v47, v52  }
0x21e: {  	v59 =	vld [tilespmem:s12+$0x1A080];
	v10 =	vadd.f32 v10, v12;
	v58 =	vadd.f32 v49, v54  }
0x21f: {  	v9 =	vadd.f32 v9, v11;
	v60 =	vadd.f32 v51, v56  }
0x220: {  	v8 =	vadd.f32 v8, v10;
	v61 =	vadd.f32 v53, v58  }
0x221: {  	v7 =	vadd.f32 v7, v9;
	v62 =	vadd.f32 v55, v60  }
0x222: {  	v6 =	vadd.f32 v6, v8;
	v63 =	vadd.f32 v57, v61  }
0x223: {  	v5 =	vadd.f32 v5, v7;
	v7 =	vadd.f32 v59, v62;
	_ =	sdelay $0x1  }
0x224: {  	v5 =	vadd.f32 v7, v5;
	v6 =	vadd.f32 v63, v6;
	_ =	sdelay $0x1  }
0x225: {  	s11 =	sadd.s32 s11, s4;
	v5 =	vadd.f32 v5, v6  }
0x226: {  	s10 =	sadd.s32 s10, s11  }
0x227: {  	s11 =	sadd.s32 $0x10, s10;
	[tilespmem:s12+$0x1080] =	vst v5  }
0x228: {  	[hbm4b:s11+s3] =	stream.linear.scatter [tilespmem:s24], [sflag:$0x4], $0x80, $0x38;
	[tilespmem:$0x1A800] =	vst v63  }
0x229: {  	s13 =	sadd.s32 $0x90, s10  }
0x22a: {  	[hbm4b:s13+s3] =	stream.linear.scatter [tilespmem:s25], [sflag:$0x4], $0x80, $0x38;
	[tilespmem:$0x1A800] =	vst v63  }
0x22b: {  	s15 =	sadd.s32 $0x110, s10  }
0x22c: {  	[hbm4b:s15+s3] =	stream.linear.scatter [tilespmem:s26], [sflag:$0x4], $0x80, $0x38;
	[tilespmem:$0x1A800] =	vst v63  }
0x22d: {  	s16 =	sadd.s32 $0x190, s10  }
0x22e: {  	[hbm4b:s16+s3] =	stream.linear.scatter [tilespmem:s28], [sflag:$0x4], $0x80, $0x38;
	[tilespmem:$0x1A800] =	vst v63  }
0x22f: {  	s17 =	sadd.s32 $0x210, s10  }
0x230: {  	[hbm4b:s17+s3] =	stream.linear.scatter [tilespmem:s29], [sflag:$0x4], $0x80, $0x38;
	[tilespmem:$0x1A800] =	vst v63  }
0x231: {  	s18 =	sadd.s32 $0x290, s10  }
0x232: {  	[hbm4b:s18+s3] =	stream.linear.scatter [tilespmem:s30], [sflag:$0x4], $0x80, $0x38;
	[tilespmem:$0x1A800] =	vst v63  }
.Ltmp5:
0x233: {  	_ = 	snop;
	(pc) =	sbr.rel @p1 .LBB2_10-.Ltmp5, $4  }
0x234: {  	s19 =	sadd.s32 $0x310, s10  }
0x235: {  	[hbm4b:s19+s3] =	stream.linear.scatter [tilespmem:s31], [sflag:$0x4], $0x80, $0x38;
	[tilespmem:$0x1A800] =	vst v63  }
0x236: {  	s10 =	sadd.s32 $0x390, s10  }
0x237: {  	[hbm4b:s10+s3] =	stream.linear.scatter [tilespmem:s0], [sflag:$0x4], $0x80, $0x38;
	[tilespmem:$0x1A800] =	vst v63  }
0x238: {  	s5 =	sand.u32 $0x3FFFFF00, s5  }
0x239: {  	v5 =	vld [tilespmem:s5+$0x180];
	_ =	sdelay $0x4  }
0x23a: {  	v6 =	vshll.u32 v5, $0x3  }
0x23b: {  	v5 =	vand.u32 $0x7, v5;
	v6 =	vand.u32 $0xFFFFFFC0, v6  }
0x23c: {  	v5 =	vor.u32 v5, v6  }
0x23d: {  	v6 =	vperm.xlane v5, v0;
	_ =	sdelay $0x1  }
0x23e: {  	v6 =	vadd.s32 v1, v6;
	_ =	sdelay $0x3  }
0x23f: {  	s10 =	simm.s32 $0x7800  }
0x240: {  	[tilespmem:s10], [sflag:$0x2] =	stream.indirect_vreg.gather [hbm4b:s1+s3], $0x80, v6, vm0, $0xb8;
	[tilespmem:$0x1A800] =	vst v63  }
0x241: {  	s11 =	simm.s32 $0x8000;
	v5 =	vperm.xlane v5, v2  }
0x242: {  	[tilespmem:s11], [sflag:$0x2] =	stream.indirect_vreg.gather [hbm4b:s6+s3], $0x80, v6, vm0, $0xb8;
	[tilespmem:$0x1A800] =	vst v63  }
0x243: {  	s12 =	simm.s32 $0x8800;
	v5 =	vadd.s32 v1, v5  }
0x244: {  	[tilespmem:s12], [sflag:$0x2] =	stream.indirect_vreg.gather [hbm4b:s7+s3], $0x80, v6, vm0, $0xb8;
	[tilespmem:$0x1A800] =	vst v63  }
0x245: {  	s13 =	simm.s32 $0x9000  }
0x246: {  	[tilespmem:s13], [sflag:$0x2] =	stream.indirect_vreg.gather [hbm4b:s8+s3], $0x80, v6, vm0, $0xb8;
	[tilespmem:$0x1A800] =	vst v63  }
0x247: {  	s15 =	simm.s32 $0x9800  }
0x248: {  	[tilespmem:s15], [sflag:$0x2] =	stream.indirect_vreg.gather [hbm4b:s1+s3], $0x80, v5, vm0, $0xb8;
	[tilespmem:$0x1A800] =	vst v63  }
0x249: {  	s16 =	simm.s32 $0xA000  }
0x24a: {  	[tilespmem:s16], [sflag:$0x2] =	stream.indirect_vreg.gather [hbm4b:s6+s3], $0x80, v5, vm0, $0xb8;
	[tilespmem:$0x1A800] =	vst v63  }
0x24b: {  	s17 =	simm.s32 $0xA800  }
0x24c: {  	[tilespmem:s17], [sflag:$0x2] =	stream.indirect_vreg.gather [hbm4b:s7+s3], $0x80, v5, vm0, $0xb8;
	[tilespmem:$0x1A800] =	vst v63  }
0x24d: {  	s18 =	simm.s32 $0xB000  }
0x24e: {  	[tilespmem:s18], [sflag:$0x2] =	stream.indirect_vreg.gather [hbm4b:s8+s3], $0x80, v5, vm0, $0xb8;
	[tilespmem:$0x1A800] =	vst v63  }
0x24f: {  	v5 =	vld.msk [tilespmem:s5+$0x190], $0xff;
	_ =	sdelay $0x4  }
0x250: {  	v6 =	vshll.u32 v5, $0x3  }
0x251: {  	v5 =	vand.u32 $0x7, v5;
	v6 =	vand.u32 $0xFFFFFFC0, v6  }
0x252: {  	v5 =	vor.u32 v5, v6  }
0x253: {  	v5 =	vperm.xlane v5, v0;
	_ =	sdelay $0x1  }
0x254: {  	v5 =	vadd.s32 v1, v5;
	_ =	sdelay $0x3  }
0x255: {  	s19 =	simm.s32 $0xB800  }
0x256: {  	[tilespmem:s19], [sflag:$0x2] =	stream.indirect_vreg.gather [hbm4b:s1+s3], $0x80, v5, vm0, $0xb8;
	[tilespmem:$0x1A800] =	vst v63  }
0x257: {  	s11 =	simm.s32 $0xC000  }
0x258: {  	[tilespmem:s11], [sflag:$0x2] =	stream.indirect_vreg.gather [hbm4b:s6+s3], $0x80, v5, vm0, $0xb8;
	[tilespmem:$0x1A800] =	vst v63  }
0x259: {  	s12 =	simm.s32 $0xC800  }
0x25a: {  	[tilespmem:s12], [sflag:$0x2] =	stream.indirect_vreg.gather [hbm4b:s7+s3], $0x80, v5, vm0, $0xb8;
	[tilespmem:$0x1A800] =	vst v63  }
0x25b: {  	s13 =	simm.s32 $0xD000  }
0x25c: {  	[tilespmem:s13], [sflag:$0x2] =	stream.indirect_vreg.gather [hbm4b:s8+s3], $0x80, v5, vm0, $0xb8;
	[tilespmem:$0x1A800] =	vst v63  }
0x25d: {  	v5 =	vld [tilespmem:s5+$0x198];
	_ =	sdelay $0x4  }
0x25e: {  	v6 =	vshll.u32 v5, $0x3  }
0x25f: {  	v5 =	vand.u32 $0x7, v5;
	v6 =	vand.u32 $0xFFFFFFC0, v6  }
0x260: {  	v5 =	vor.u32 v5, v6  }
0x261: {  	v6 =	vperm.xlane v5, v0;
	_ =	sdelay $0x1  }
0x262: {  	v6 =	vadd.s32 v1, v6;
	_ =	sdelay $0x3  }
0x263: {  	s15 =	simm.s32 $0x13800  }
0x264: {  	[tilespmem:s15], [sflag:$0x2] =	stream.indirect_vreg.gather [hbm4b:s1+s3], $0x80, v6, vm0, $0xb8;
	[tilespmem:$0x1A800] =	vst v63  }
0x265: {  	s16 =	simm.s32 $0x14000;
	v5 =	vperm.xlane v5, v2  }
0x266: {  	[tilespmem:s16], [sflag:$0x2] =	stream.indirect_vreg.gather [hbm4b:s6+s3], $0x80, v6, vm0, $0xb8;
	[tilespmem:$0x1A800] =	vst v63  }
0x267: {  	s17 =	simm.s32 $0x14800;
	v5 =	vadd.s32 v1, v5  }
0x268: {  	[tilespmem:s17], [sflag:$0x2] =	stream.indirect_vreg.gather [hbm4b:s7+s3], $0x80, v6, vm0, $0xb8;
	[tilespmem:$0x1A800] =	vst v63  }
0x269: {  	s18 =	simm.s32 $0x15000  }
0x26a: {  	[tilespmem:s18], [sflag:$0x2] =	stream.indirect_vreg.gather [hbm4b:s8+s3], $0x80, v6, vm0, $0xb8;
	[tilespmem:$0x1A800] =	vst v63  }
0x26b: {  	s19 =	simm.s32 $0x15800  }
0x26c: {  	[tilespmem:s19], [sflag:$0x2] =	stream.indirect_vreg.gather [hbm4b:s1+s3], $0x80, v5, vm0, $0xb8;
	[tilespmem:$0x1A800] =	vst v63  }
0x26d: {  	s11 =	simm.s32 $0x16000  }
0x26e: {  	[tilespmem:s11], [sflag:$0x2] =	stream.indirect_vreg.gather [hbm4b:s6+s3], $0x80, v5, vm0, $0xb8;
	[tilespmem:$0x1A800] =	vst v63  }
0x26f: {  	s12 =	simm.s32 $0x16800  }
0x270: {  	[tilespmem:s12], [sflag:$0x2] =	stream.indirect_vreg.gather [hbm4b:s7+s3], $0x80, v5, vm0, $0xb8;
	[tilespmem:$0x1A800] =	vst v63  }
0x271: {  	s13 =	simm.s32 $0x17000  }
0x272: {  	[tilespmem:s13], [sflag:$0x2] =	stream.indirect_vreg.gather [hbm4b:s8+s3], $0x80, v5, vm0, $0xb8;
	[tilespmem:$0x1A800] =	vst v63  }
0x273: {  	v5 =	vld.msk [tilespmem:s5+$0x1A8], $0xff;
	_ =	sdelay $0x4  }
0x274: {  	v6 =	vshll.u32 v5, $0x3  }
0x275: {  	v5 =	vand.u32 $0x7, v5;
	v6 =	vand.u32 $0xFFFFFFC0, v6  }
0x276: {  	v5 =	vor.u32 v5, v6  }
0x277: {  	v5 =	vperm.xlane v5, v0;
	_ =	sdelay $0x1  }
0x278: {  	v5 =	vadd.s32 v1, v5;
	_ =	sdelay $0x3  }
0x279: {  	s15 =	simm.s32 $0x17800  }
0x27a: {  	[tilespmem:s15], [sflag:$0x2] =	stream.indirect_vreg.gather [hbm4b:s1+s3], $0x80, v5, vm0, $0xb8;
	[tilespmem:$0x1A800] =	vst v63  }
0x27b: {  	s16 =	simm.s32 $0x18000  }
0x27c: {  	[tilespmem:s16], [sflag:$0x2] =	stream.indirect_vreg.gather [hbm4b:s6+s3], $0x80, v5, vm0, $0xb8;
	[tilespmem:$0x1A800] =	vst v63  }
0x27d: {  	s17 =	simm.s32 $0x18800  }
0x27e: {  	[tilespmem:s17], [sflag:$0x2] =	stream.indirect_vreg.gather [hbm4b:s7+s3], $0x80, v5, vm0, $0xb8;
	[tilespmem:$0x1A800] =	vst v63  }
0x27f: {  	s18 =	simm.s32 $0x19000  }
0x280: {  	[tilespmem:s18], [sflag:$0x2] =	stream.indirect_vreg.gather [hbm4b:s8+s3], $0x80, v5, vm0, $0xb8;
	[tilespmem:$0x1A800] =	vst v63  }
0x281: {  	v5 =	vld.msk [tilespmem:s5+$0x1B0], $0x3;
	_ =	sdelay $0x4  }
0x282: {  	v6 =	vshll.u32 v5, $0x3  }
0x283: {  	v5 =	vand.u32 $0x7, v5;
	v6 =	vand.u32 $0xFFFFFFC0, v6  }
0x284: {  	v5 =	vor.u32 v5, v6  }
0x285: {  	v5 =	vperm.xlane v5, v3;
	_ =	sdelay $0x1  }
0x286: {  	v5 =	vadd.s32 v4, v5  }
.Ltmp6:
0x287: {  	_ = 	snop;
	(pc) =	sbr.rel .LBB2_2-.Ltmp6, $3  }
0x288: {  	_ =	sdelay $0x1  }
0x289: {  	s2 =	sadd.s32 $0x1, s2;
	s19 =	simm.s32 $0x1A000  }
0x28a: {  	[tilespmem:s19], [sflag:$0x2] =	stream.indirect_vreg.gather [hbm4b:s1+s3], $0x80, v5, vm0, $0xb8;
	[tilespmem:$0x1A800] =	vst v63  }
.LBB2_11:
0x28b: {  	_ =	sfence.sel $0x180000  }
0x28c: {  	[bflag:$0x0] =	sbarrier.arrive $0xFFFF  }
0x28d: {  	_ =	strace $0x90000047  }
0x28e: {  	s0 =	stileid.u32;
	[bflag:$0x2] =	sbarrier.arrive $0xFFFF  }
0x28f: {  	p0 =	sne.s32 s0, $0x0;
	s0 =	rddreg [dreg:$0x3]  }
0x290: {  	s0 =	sadd.s32 @!p0 $0x100000, s0  }
0x291: {  	[sflag:s0] =	ssyncadd.tile.s32 @!p0 $0x1;
	_ =	shalt  }
.Lfunc_end2:
_tile_overlayer_lowered:
.L_overlay_start_2:
0x292: {  	(tag) =	ssettag $0x2  }
0x293: {  	s0 =	rddreg [dreg:$0x0];
	s2 =	stileid.u32  }
0x294: {  	s1 =	rddreg [dreg:$0x1];
	p0 =	sne.s32 s2, $0x0  }
0x295: {  	s3 =	rddreg [dreg:$0x2];
	[bflag:$0x3] =	sbarrier.arrive $0xFFFF;
	s2 =	simm.s32 @!p0 $0x1C05  }
0x296: {  	[timem:s3], [sflag:s2] =	dma.local @!p0 [hbm:s0], s1  }
0x297: {  	s0 =	simm.s32 @!p0 $0x5  }
0x298: {  	_ =	swait.ge @!p0 [sflag:s0], s1  }
0x299: {  	s1 =	ssub.s32 @!p0 $0x0, s1;
	[sflag:s0] =	ssyncset.done @!p0 $0x0  }
0x29a: {  	[sflag:s0] =	ssyncadd.s32 @!p0 s1  }
0x29b: {  	[bflag:$0x3] =	sbarrier.arrive $0xFFFF  }
0x29c: {  	_ =	shalt  }

</sc_bundles>
